<compile_context>
chip_gen: v7x
topology: tpu7x:2x2x1
jax: 0.10.2.dev20260603
libtpu: 0.0.44.dev20260713+nightly
codegen_flags: <defaults>
</compile_context>

<pallas_src>
import jax
import jax.numpy as jnp
from jax import lax
from jax.experimental import pallas as pl
from jax.experimental.pallas import tpu as pltpu
from jax.experimental.pallas import tpu_sc as plsc

N_ATOMS = 1_600_000
S = 1024
PAD_S = S + 1
NC = 2
NS = 16
L = 16
NW = NC * NS
PER_W = N_ATOMS // NW


NCHUNK = 5
CHUNK = PER_W // NCHUNK


def _sc_body(energy_hbm, batch_hbm, out_hbm, e_v0, e_v1, b_v0, b_v1,
             acc_v, res_v, se, sb):
    cid = lax.axis_index("c")
    sid = lax.axis_index("s")
    wid = sid * NC + cid
    base = wid * PER_W
    e_bufs = (e_v0, e_v1)
    b_bufs = (b_v0, b_v1)

    def issue(c):
        off = base + c * CHUNK
        ce = pltpu.async_copy(energy_hbm.at[pl.ds(off, CHUNK)], e_bufs[c % 2], se)
        cb = pltpu.async_copy(batch_hbm.at[pl.ds(off, CHUNK)], b_bufs[c % 2], sb)
        return ce, cb

    pending = issue(0)

    zeros = jnp.zeros((L,), jnp.float32)

    @plsc.parallel_loop(0, (PAD_S * L) // L, unroll=8)
    def _zero(i):
        acc_v[pl.ds(i * L, L)] = zeros

    lane_off = lax.iota(jnp.int32, L) * PAD_S
    lane_iota = lax.iota(jnp.int32, L)

    for c in range(NCHUNK):
        nxt = issue(c + 1) if c + 1 < NCHUNK else None
        for p in pending:
            p.wait()
        cur = c % 2

        e_cur = e_bufs[cur]
        b_cur = b_bufs[cur]

        @plsc.parallel_loop(0, CHUNK // L, unroll=25)
        def _scatter(i):
            idx = b_cur[pl.ds(i * L, L)]
            e = e_cur[pl.ds(i * L, L)]
            plsc.addupdate_scatter(acc_v, [lane_off + idx], e)

        pending = nxt

    @plsc.parallel_loop(0, S // L, unroll=4)
    def _reduce(c):
        base = c * L + lane_iota
        s = plsc.load_gather(acc_v, [base])
        for j in range(1, L):
            s = s + plsc.load_gather(acc_v, [base + j * PAD_S])
        res_v[pl.ds(c * L, L)] = s

    pltpu.sync_copy(res_v, out_hbm.at[wid])


_sc_partials = pl.kernel(
    _sc_body,
    out_type=jax.ShapeDtypeStruct((NW, S), jnp.float32),
    mesh=plsc.VectorSubcoreMesh(core_axis_name="c", subcore_axis_name="s"),
    scratch_types=[
        pltpu.VMEM((CHUNK,), jnp.float32),
        pltpu.VMEM((CHUNK,), jnp.float32),
        pltpu.VMEM((CHUNK,), jnp.int32),
        pltpu.VMEM((CHUNK,), jnp.int32),
        pltpu.VMEM((PAD_S * L,), jnp.float32),
        pltpu.VMEM((S,), jnp.float32),
        pltpu.SemaphoreType.DMA,
        pltpu.SemaphoreType.DMA,
    ],
    compiler_params=pltpu.CompilerParams(
        needs_layout_passes=False, skip_device_barrier=True
    ),
)


def _tc_sum_body(p_ref, o_ref):
    o_ref[...] = jnp.sum(p_ref[...], axis=0, keepdims=True)


def kernel(site_energy, batch):
    partials = _sc_partials(site_energy, batch)
    out = pl.pallas_call(
        _tc_sum_body,
        out_shape=jax.ShapeDtypeStruct((1, S), jnp.float32),
        compiler_params=pltpu.CompilerParams(skip_device_barrier=True),
    )(partials)
    return out.reshape(S)

# --- scband reference (transcript-rebuilt; emitter-appended) ---
"""Pipeline reference for scband-atomic-module-6734508720698 (READ-ONLY COPY).

The authoritative reference and input builder live on the scoring server;
editing this copy changes nothing except your own understanding.
"""

import jax, jax.numpy as jnp
import numpy as np

N_ATOMS = 1600000
NUM_SEGMENTS = 1024


def setup_inputs(seed: int = 0) -> dict:
    key = jax.random.key(seed)
    k1, k2 = jax.random.split(key)
    # site_energy stands in for the output of the (abstract) `calculate` method:
    # per-atom energies over the whole padded batch of molecules.
    site_energy = jax.random.normal(k1, (N_ATOMS,), dtype=jnp.float32)
    # `batch` maps each atom to its molecule index; sorted, as produced by
    # standard molecular batching (atoms of the same molecule are contiguous).
    batch = jnp.sort(jax.random.randint(k2, (N_ATOMS,), 0, NUM_SEGMENTS, dtype=jnp.int32))
    return {"site_energy": site_energy, "batch": batch}


def reference(site_energy, batch):
    # Faithful translation of AtomicModule.forward with properties=['energy']:
    #   batch_data['energy_p'] = _scatter_add(site_energy, batch_data['batch'])
    # _scatter_add over molecule ids == segment sum over atoms.
    energy_p = jax.ops.segment_sum(site_energy, batch, num_segments=NUM_SEGMENTS)
    return energy_p

if __name__ == "__main__":
    import jax
    _d = setup_inputs()
    print(jax.jit(kernel)(*tuple(_d.values())))

</pallas_src>

<mosaic_0001>
#map = affine_map<(d0, d1) -> (0)>
#map1 = affine_map<(d0, d1) -> (0, 0)>
module attributes {stable_mosaic.version = 14 : i64} {
  func.func @_sc_body(%arg0: i32, %arg1: i32, %arg2: memref<1600000xf32, #tpu.memory_space<hbm>>, %arg3: memref<1600000xi32, #tpu.memory_space<hbm>>, %arg4: memref<32x1024xf32, #tpu.memory_space<hbm>>, %arg5: memref<10000xf32, #tpu.memory_space<vmem>>, %arg6: memref<10000xf32, #tpu.memory_space<vmem>>, %arg7: memref<10000xi32, #tpu.memory_space<vmem>>, %arg8: memref<10000xi32, #tpu.memory_space<vmem>>, %arg9: memref<16400xf32, #tpu.memory_space<vmem>>, %arg10: memref<1024xf32, #tpu.memory_space<vmem>>, %arg11: memref<!tpu.dma_semaphore, #tpu.memory_space<semaphore_mem>>, %arg12: memref<!tpu.dma_semaphore, #tpu.memory_space<semaphore_mem>>) attributes {dimension_semantics = [#tpu.dimension_semantics<core_parallel>, #tpu.dimension_semantics<subcore_parallel>], iteration_bounds = array<i64: 2, 16>, scalar_prefetch = 0 : i64, scratch_operands = 8 : i64, tpu.core_type = #tpu.core_type<sc_vector_subcore>, window_params = [{transform_indices = #map}, {transform_indices = #map}, {transform_indices = #map1}]} {
    %mul3A = arith.constant 2 : i32
    %mul3A_0 = arith.muli %arg1, %mul3A : i32
    %add3A = arith.addi %mul3A_0, %arg0 : i32
    %mul3A_1 = arith.constant 50000 : i32
    %mul3A_2 = arith.muli %add3A, %mul3A_1 : i32
    %add3A_3 = arith.constant 0 : i32
    %add3A_4 = arith.addi %mul3A_2, %add3A_3 : i32
    %dma_start3A = tpu.memref_slice %arg2[%add3A_4] : memref<1600000xf32, #tpu.memory_space<hbm>> -> memref<10000xf32, #tpu.memory_space<hbm>>
    %dma_start3A_5 = tpu.memref_slice %arg2[%add3A_4] : memref<1600000xf32, #tpu.memory_space<hbm>> -> memref<10000xf32, #tpu.memory_space<hbm>>
    tpu.enqueue_dma source(%dma_start3A_5 : memref<10000xf32, #tpu.memory_space<hbm>>) target(%arg5 : memref<10000xf32, #tpu.memory_space<vmem>>) target_semaphore(%arg11 : memref<!tpu.dma_semaphore, #tpu.memory_space<semaphore_mem>>)
    %dma_start3A_6 = tpu.memref_slice %arg3[%add3A_4] : memref<1600000xi32, #tpu.memory_space<hbm>> -> memref<10000xi32, #tpu.memory_space<hbm>>
    %dma_start3A_7 = tpu.memref_slice %arg3[%add3A_4] : memref<1600000xi32, #tpu.memory_space<hbm>> -> memref<10000xi32, #tpu.memory_space<hbm>>
    tpu.enqueue_dma source(%dma_start3A_7 : memref<10000xi32, #tpu.memory_space<hbm>>) target(%arg7 : memref<10000xi32, #tpu.memory_space<vmem>>) target_semaphore(%arg12 : memref<!tpu.dma_semaphore, #tpu.memory_space<semaphore_mem>>)
    %broadcast_in_dim3A = arith.constant 0.000000e+00 : f32
    %broadcast_in_dim3A_8 = vector.broadcast %broadcast_in_dim3A : f32 to vector<16xf32>
    %parallel_loop3A = arith.constant 0 : i32
    %parallel_loop3A_9 = arith.constant 1025 : i32
    %parallel_loop3A_10 = arith.constant 1 : i32
    scf.for %parallel_loop3A_76 = %parallel_loop3A to %parallel_loop3A_9 step %parallel_loop3A_10  : i32 {
      %parallel_loop3A_77 = arith.constant 16 : i32
      %parallel_loop3A_78 = arith.muli %parallel_loop3A_76, %parallel_loop3A_77 : i32
      %parallel_loop3A_79 = arith.index_cast %parallel_loop3A_78 : i32 to index
      %parallel_loop3A_80 = tpu.vector_load %arg9[%parallel_loop3A_79] {strides = array<i32>} : memref<16400xf32, #tpu.memory_space<vmem>>, vector<16xf32>,
      tpu.vector_store %arg9[%parallel_loop3A_79], %broadcast_in_dim3A_8 {strides = array<i32>} : memref<16400xf32, #tpu.memory_space<vmem>>, vector<16xf32>,
    } {sc.loop_unroll_factor = 8 : i64, sc.parallel_access}
    %iota3A = tpu.iota {dimensions = array<i32: 0>} : vector<16xi32>
    %mul3A_11 = arith.constant 1025 : i32
    %mul3A_12 = vector.broadcast %mul3A_11 : i32 to vector<16xi32>
    %mul3A_13 = arith.muli %iota3A, %mul3A_12 : vector<16xi32>
    %iota3A_14 = tpu.iota {dimensions = array<i32: 0>} : vector<16xi32>
    %add3A_15 = arith.constant 10000 : i32
    %add3A_16 = arith.addi %mul3A_2, %add3A_15 : i32
    %dma_start3A_17 = tpu.memref_slice %arg2[%add3A_16] : memref<1600000xf32, #tpu.memory_space<hbm>> -> memref<10000xf32, #tpu.memory_space<hbm>>
    %dma_start3A_18 = tpu.memref_slice %arg2[%add3A_16] : memref<1600000xf32, #tpu.memory_space<hbm>> -> memref<10000xf32, #tpu.memory_space<hbm>>
    tpu.enqueue_dma source(%dma_start3A_18 : memref<10000xf32, #tpu.memory_space<hbm>>) target(%arg6 : memref<10000xf32, #tpu.memory_space<vmem>>) target_semaphore(%arg11 : memref<!tpu.dma_semaphore, #tpu.memory_space<semaphore_mem>>)
    %dma_start3A_19 = tpu.memref_slice %arg3[%add3A_16] : memref<1600000xi32, #tpu.memory_space<hbm>> -> memref<10000xi32, #tpu.memory_space<hbm>>
    %dma_start3A_20 = tpu.memref_slice %arg3[%add3A_16] : memref<1600000xi32, #tpu.memory_space<hbm>> -> memref<10000xi32, #tpu.memory_space<hbm>>
    tpu.enqueue_dma source(%dma_start3A_20 : memref<10000xi32, #tpu.memory_space<hbm>>) target(%arg8 : memref<10000xi32, #tpu.memory_space<vmem>>) target_semaphore(%arg12 : memref<!tpu.dma_semaphore, #tpu.memory_space<semaphore_mem>>)
    %dma_wait3A = tpu.memref_slice %arg2[%add3A_4] : memref<1600000xf32, #tpu.memory_space<hbm>> -> memref<10000xf32, #tpu.memory_space<hbm>>
    %dma_wait3A_21 = tpu.memref_slice %arg2[%add3A_4] : memref<1600000xf32, #tpu.memory_space<hbm>> -> memref<10000xf32, #tpu.memory_space<hbm>>
    tpu.wait_dma2 semaphore(%arg11 : memref<!tpu.dma_semaphore, #tpu.memory_space<semaphore_mem>>) src(%dma_wait3A_21 : memref<10000xf32, #tpu.memory_space<hbm>>) dst(%arg5 : memref<10000xf32, #tpu.memory_space<vmem>>)
    %dma_wait3A_22 = tpu.memref_slice %arg3[%add3A_4] : memref<1600000xi32, #tpu.memory_space<hbm>> -> memref<10000xi32, #tpu.memory_space<hbm>>
    %dma_wait3A_23 = tpu.memref_slice %arg3[%add3A_4] : memref<1600000xi32, #tpu.memory_space<hbm>> -> memref<10000xi32, #tpu.memory_space<hbm>>
    tpu.wait_dma2 semaphore(%arg12 : memref<!tpu.dma_semaphore, #tpu.memory_space<semaphore_mem>>) src(%dma_wait3A_23 : memref<10000xi32, #tpu.memory_space<hbm>>) dst(%arg7 : memref<10000xi32, #tpu.memory_space<vmem>>)
    %parallel_loop3A_24 = arith.constant 0 : i32
    %parallel_loop3A_25 = arith.constant 625 : i32
    %parallel_loop3A_26 = arith.constant 1 : i32
    scf.for %parallel_loop3A_76 = %parallel_loop3A_24 to %parallel_loop3A_25 step %parallel_loop3A_26  : i32 {
      %parallel_loop3A_77 = arith.constant 16 : i32
      %parallel_loop3A_78 = arith.muli %parallel_loop3A_76, %parallel_loop3A_77 : i32
      %parallel_loop3A_79 = arith.index_cast %parallel_loop3A_78 : i32 to index
      %parallel_loop3A_80 = tpu.vector_load %arg7[%parallel_loop3A_79] {strides = array<i32>} : memref<10000xi32, #tpu.memory_space<vmem>>, vector<16xi32>,
      %parallel_loop3A_81 = arith.constant 16 : i32
      %parallel_loop3A_82 = arith.muli %parallel_loop3A_76, %parallel_loop3A_81 : i32
      %parallel_loop3A_83 = arith.index_cast %parallel_loop3A_82 : i32 to index
      %parallel_loop3A_84 = tpu.vector_load %arg5[%parallel_loop3A_83] {strides = array<i32>} : memref<10000xf32, #tpu.memory_space<vmem>>, vector<16xf32>,
      %parallel_loop3A_85 = arith.addi %mul3A_13, %parallel_loop3A_80 : vector<16xi32>
      tpu.vector_store_idx %arg9[%parallel_loop3A_85], %parallel_loop3A_84 {add = true} : memref<16400xf32, #tpu.memory_space<vmem>>[vector<16xi32>], vector<16xf32>,
    } {sc.loop_unroll_factor = 25 : i64, sc.parallel_access}
    %add3A_27 = arith.constant 20000 : i32
    %add3A_28 = arith.addi %mul3A_2, %add3A_27 : i32
    %dma_start3A_29 = tpu.memref_slice %arg2[%add3A_28] : memref<1600000xf32, #tpu.memory_space<hbm>> -> memref<10000xf32, #tpu.memory_space<hbm>>
    %dma_start3A_30 = tpu.memref_slice %arg2[%add3A_28] : memref<1600000xf32, #tpu.memory_space<hbm>> -> memref<10000xf32, #tpu.memory_space<hbm>>
    tpu.enqueue_dma source(%dma_start3A_30 : memref<10000xf32, #tpu.memory_space<hbm>>) target(%arg5 : memref<10000xf32, #tpu.memory_space<vmem>>) target_semaphore(%arg11 : memref<!tpu.dma_semaphore, #tpu.memory_space<semaphore_mem>>)
    %dma_start3A_31 = tpu.memref_slice %arg3[%add3A_28] : memref<1600000xi32, #tpu.memory_space<hbm>> -> memref<10000xi32, #tpu.memory_space<hbm>>
    %dma_start3A_32 = tpu.memref_slice %arg3[%add3A_28] : memref<1600000xi32, #tpu.memory_space<hbm>> -> memref<10000xi32, #tpu.memory_space<hbm>>
    tpu.enqueue_dma source(%dma_start3A_32 : memref<10000xi32, #tpu.memory_space<hbm>>) target(%arg7 : memref<10000xi32, #tpu.memory_space<vmem>>) target_semaphore(%arg12 : memref<!tpu.dma_semaphore, #tpu.memory_space<semaphore_mem>>)
    %dma_wait3A_33 = tpu.memref_slice %arg2[%add3A_16] : memref<1600000xf32, #tpu.memory_space<hbm>> -> memref<10000xf32, #tpu.memory_space<hbm>>
    %dma_wait3A_34 = tpu.memref_slice %arg2[%add3A_16] : memref<1600000xf32, #tpu.memory_space<hbm>> -> memref<10000xf32, #tpu.memory_space<hbm>>
    tpu.wait_dma2 semaphore(%arg11 : memref<!tpu.dma_semaphore, #tpu.memory_space<semaphore_mem>>) src(%dma_wait3A_34 : memref<10000xf32, #tpu.memory_space<hbm>>) dst(%arg6 : memref<10000xf32, #tpu.memory_space<vmem>>)
    %dma_wait3A_35 = tpu.memref_slice %arg3[%add3A_16] : memref<1600000xi32, #tpu.memory_space<hbm>> -> memref<10000xi32, #tpu.memory_space<hbm>>
    %dma_wait3A_36 = tpu.memref_slice %arg3[%add3A_16] : memref<1600000xi32, #tpu.memory_space<hbm>> -> memref<10000xi32, #tpu.memory_space<hbm>>
    tpu.wait_dma2 semaphore(%arg12 : memref<!tpu.dma_semaphore, #tpu.memory_space<semaphore_mem>>) src(%dma_wait3A_36 : memref<10000xi32, #tpu.memory_space<hbm>>) dst(%arg8 : memref<10000xi32, #tpu.memory_space<vmem>>)
    %parallel_loop3A_37 = arith.constant 0 : i32
    %parallel_loop3A_38 = arith.constant 625 : i32
    %parallel_loop3A_39 = arith.constant 1 : i32
    scf.for %parallel_loop3A_76 = %parallel_loop3A_37 to %parallel_loop3A_38 step %parallel_loop3A_39  : i32 {
      %parallel_loop3A_77 = arith.constant 16 : i32
      %parallel_loop3A_78 = arith.muli %parallel_loop3A_76, %parallel_loop3A_77 : i32
      %parallel_loop3A_79 = arith.index_cast %parallel_loop3A_78 : i32 to index
      %parallel_loop3A_80 = tpu.vector_load %arg8[%parallel_loop3A_79] {strides = array<i32>} : memref<10000xi32, #tpu.memory_space<vmem>>, vector<16xi32>,
      %parallel_loop3A_81 = arith.constant 16 : i32
      %parallel_loop3A_82 = arith.muli %parallel_loop3A_76, %parallel_loop3A_81 : i32
      %parallel_loop3A_83 = arith.index_cast %parallel_loop3A_82 : i32 to index
      %parallel_loop3A_84 = tpu.vector_load %arg6[%parallel_loop3A_83] {strides = array<i32>} : memref<10000xf32, #tpu.memory_space<vmem>>, vector<16xf32>,
      %parallel_loop3A_85 = arith.addi %mul3A_13, %parallel_loop3A_80 : vector<16xi32>
      tpu.vector_store_idx %arg9[%parallel_loop3A_85], %parallel_loop3A_84 {add = true} : memref<16400xf32, #tpu.memory_space<vmem>>[vector<16xi32>], vector<16xf32>,
    } {sc.loop_unroll_factor = 25 : i64, sc.parallel_access}
    %add3A_40 = arith.constant 30000 : i32
    %add3A_41 = arith.addi %mul3A_2, %add3A_40 : i32
    %dma_start3A_42 = tpu.memref_slice %arg2[%add3A_41] : memref<1600000xf32, #tpu.memory_space<hbm>> -> memref<10000xf32, #tpu.memory_space<hbm>>
    %dma_start3A_43 = tpu.memref_slice %arg2[%add3A_41] : memref<1600000xf32, #tpu.memory_space<hbm>> -> memref<10000xf32, #tpu.memory_space<hbm>>
    tpu.enqueue_dma source(%dma_start3A_43 : memref<10000xf32, #tpu.memory_space<hbm>>) target(%arg6 : memref<10000xf32, #tpu.memory_space<vmem>>) target_semaphore(%arg11 : memref<!tpu.dma_semaphore, #tpu.memory_space<semaphore_mem>>)
    %dma_start3A_44 = tpu.memref_slice %arg3[%add3A_41] : memref<1600000xi32, #tpu.memory_space<hbm>> -> memref<10000xi32, #tpu.memory_space<hbm>>
    %dma_start3A_45 = tpu.memref_slice %arg3[%add3A_41] : memref<1600000xi32, #tpu.memory_space<hbm>> -> memref<10000xi32, #tpu.memory_space<hbm>>
    tpu.enqueue_dma source(%dma_start3A_45 : memref<10000xi32, #tpu.memory_space<hbm>>) target(%arg8 : memref<10000xi32, #tpu.memory_space<vmem>>) target_semaphore(%arg12 : memref<!tpu.dma_semaphore, #tpu.memory_space<semaphore_mem>>)
    %dma_wait3A_46 = tpu.memref_slice %arg2[%add3A_28] : memref<1600000xf32, #tpu.memory_space<hbm>> -> memref<10000xf32, #tpu.memory_space<hbm>>
    %dma_wait3A_47 = tpu.memref_slice %arg2[%add3A_28] : memref<1600000xf32, #tpu.memory_space<hbm>> -> memref<10000xf32, #tpu.memory_space<hbm>>
    tpu.wait_dma2 semaphore(%arg11 : memref<!tpu.dma_semaphore, #tpu.memory_space<semaphore_mem>>) src(%dma_wait3A_47 : memref<10000xf32, #tpu.memory_space<hbm>>) dst(%arg5 : memref<10000xf32, #tpu.memory_space<vmem>>)
    %dma_wait3A_48 = tpu.memref_slice %arg3[%add3A_28] : memref<1600000xi32, #tpu.memory_space<hbm>> -> memref<10000xi32, #tpu.memory_space<hbm>>
    %dma_wait3A_49 = tpu.memref_slice %arg3[%add3A_28] : memref<1600000xi32, #tpu.memory_space<hbm>> -> memref<10000xi32, #tpu.memory_space<hbm>>
    tpu.wait_dma2 semaphore(%arg12 : memref<!tpu.dma_semaphore, #tpu.memory_space<semaphore_mem>>) src(%dma_wait3A_49 : memref<10000xi32, #tpu.memory_space<hbm>>) dst(%arg7 : memref<10000xi32, #tpu.memory_space<vmem>>)
    %parallel_loop3A_50 = arith.constant 0 : i32
    %parallel_loop3A_51 = arith.constant 625 : i32
    %parallel_loop3A_52 = arith.constant 1 : i32
    scf.for %parallel_loop3A_76 = %parallel_loop3A_50 to %parallel_loop3A_51 step %parallel_loop3A_52  : i32 {
      %parallel_loop3A_77 = arith.constant 16 : i32
      %parallel_loop3A_78 = arith.muli %parallel_loop3A_76, %parallel_loop3A_77 : i32
      %parallel_loop3A_79 = arith.index_cast %parallel_loop3A_78 : i32 to index
      %parallel_loop3A_80 = tpu.vector_load %arg7[%parallel_loop3A_79] {strides = array<i32>} : memref<10000xi32, #tpu.memory_space<vmem>>, vector<16xi32>,
      %parallel_loop3A_81 = arith.constant 16 : i32
      %parallel_loop3A_82 = arith.muli %parallel_loop3A_76, %parallel_loop3A_81 : i32
      %parallel_loop3A_83 = arith.index_cast %parallel_loop3A_82 : i32 to index
      %parallel_loop3A_84 = tpu.vector_load %arg5[%parallel_loop3A_83] {strides = array<i32>} : memref<10000xf32, #tpu.memory_space<vmem>>, vector<16xf32>,
      %parallel_loop3A_85 = arith.addi %mul3A_13, %parallel_loop3A_80 : vector<16xi32>
      tpu.vector_store_idx %arg9[%parallel_loop3A_85], %parallel_loop3A_84 {add = true} : memref<16400xf32, #tpu.memory_space<vmem>>[vector<16xi32>], vector<16xf32>,
    } {sc.loop_unroll_factor = 25 : i64, sc.parallel_access}
    %add3A_53 = arith.constant 40000 : i32
    %add3A_54 = arith.addi %mul3A_2, %add3A_53 : i32
    %dma_start3A_55 = tpu.memref_slice %arg2[%add3A_54] : memref<1600000xf32, #tpu.memory_space<hbm>> -> memref<10000xf32, #tpu.memory_space<hbm>>
    %dma_start3A_56 = tpu.memref_slice %arg2[%add3A_54] : memref<1600000xf32, #tpu.memory_space<hbm>> -> memref<10000xf32, #tpu.memory_space<hbm>>
    tpu.enqueue_dma source(%dma_start3A_56 : memref<10000xf32, #tpu.memory_space<hbm>>) target(%arg5 : memref<10000xf32, #tpu.memory_space<vmem>>) target_semaphore(%arg11 : memref<!tpu.dma_semaphore, #tpu.memory_space<semaphore_mem>>)
    %dma_start3A_57 = tpu.memref_slice %arg3[%add3A_54] : memref<1600000xi32, #tpu.memory_space<hbm>> -> memref<10000xi32, #tpu.memory_space<hbm>>
    %dma_start3A_58 = tpu.memref_slice %arg3[%add3A_54] : memref<1600000xi32, #tpu.memory_space<hbm>> -> memref<10000xi32, #tpu.memory_space<hbm>>
    tpu.enqueue_dma source(%dma_start3A_58 : memref<10000xi32, #tpu.memory_space<hbm>>) target(%arg7 : memref<10000xi32, #tpu.memory_space<vmem>>) target_semaphore(%arg12 : memref<!tpu.dma_semaphore, #tpu.memory_space<semaphore_mem>>)
    %dma_wait3A_59 = tpu.memref_slice %arg2[%add3A_41] : memref<1600000xf32, #tpu.memory_space<hbm>> -> memref<10000xf32, #tpu.memory_space<hbm>>
    %dma_wait3A_60 = tpu.memref_slice %arg2[%add3A_41] : memref<1600000xf32, #tpu.memory_space<hbm>> -> memref<10000xf32, #tpu.memory_space<hbm>>
    tpu.wait_dma2 semaphore(%arg11 : memref<!tpu.dma_semaphore, #tpu.memory_space<semaphore_mem>>) src(%dma_wait3A_60 : memref<10000xf32, #tpu.memory_space<hbm>>) dst(%arg6 : memref<10000xf32, #tpu.memory_space<vmem>>)
    %dma_wait3A_61 = tpu.memref_slice %arg3[%add3A_41] : memref<1600000xi32, #tpu.memory_space<hbm>> -> memref<10000xi32, #tpu.memory_space<hbm>>
    %dma_wait3A_62 = tpu.memref_slice %arg3[%add3A_41] : memref<1600000xi32, #tpu.memory_space<hbm>> -> memref<10000xi32, #tpu.memory_space<hbm>>
    tpu.wait_dma2 semaphore(%arg12 : memref<!tpu.dma_semaphore, #tpu.memory_space<semaphore_mem>>) src(%dma_wait3A_62 : memref<10000xi32, #tpu.memory_space<hbm>>) dst(%arg8 : memref<10000xi32, #tpu.memory_space<vmem>>)
    %parallel_loop3A_63 = arith.constant 0 : i32
    %parallel_loop3A_64 = arith.constant 625 : i32
    %parallel_loop3A_65 = arith.constant 1 : i32
    scf.for %parallel_loop3A_76 = %parallel_loop3A_63 to %parallel_loop3A_64 step %parallel_loop3A_65  : i32 {
      %parallel_loop3A_77 = arith.constant 16 : i32
      %parallel_loop3A_78 = arith.muli %parallel_loop3A_76, %parallel_loop3A_77 : i32
      %parallel_loop3A_79 = arith.index_cast %parallel_loop3A_78 : i32 to index
      %parallel_loop3A_80 = tpu.vector_load %arg8[%parallel_loop3A_79] {strides = array<i32>} : memref<10000xi32, #tpu.memory_space<vmem>>, vector<16xi32>,
      %parallel_loop3A_81 = arith.constant 16 : i32
      %parallel_loop3A_82 = arith.muli %parallel_loop3A_76, %parallel_loop3A_81 : i32
      %parallel_loop3A_83 = arith.index_cast %parallel_loop3A_82 : i32 to index
      %parallel_loop3A_84 = tpu.vector_load %arg6[%parallel_loop3A_83] {strides = array<i32>} : memref<10000xf32, #tpu.memory_space<vmem>>, vector<16xf32>,
      %parallel_loop3A_85 = arith.addi %mul3A_13, %parallel_loop3A_80 : vector<16xi32>
      tpu.vector_store_idx %arg9[%parallel_loop3A_85], %parallel_loop3A_84 {add = true} : memref<16400xf32, #tpu.memory_space<vmem>>[vector<16xi32>], vector<16xf32>,
    } {sc.loop_unroll_factor = 25 : i64, sc.parallel_access}
    %dma_wait3A_66 = tpu.memref_slice %arg2[%add3A_54] : memref<1600000xf32, #tpu.memory_space<hbm>> -> memref<10000xf32, #tpu.memory_space<hbm>>
    %dma_wait3A_67 = tpu.memref_slice %arg2[%add3A_54] : memref<1600000xf32, #tpu.memory_space<hbm>> -> memref<10000xf32, #tpu.memory_space<hbm>>
    tpu.wait_dma2 semaphore(%arg11 : memref<!tpu.dma_semaphore, #tpu.memory_space<semaphore_mem>>) src(%dma_wait3A_67 : memref<10000xf32, #tpu.memory_space<hbm>>) dst(%arg5 : memref<10000xf32, #tpu.memory_space<vmem>>)
    %dma_wait3A_68 = tpu.memref_slice %arg3[%add3A_54] : memref<1600000xi32, #tpu.memory_space<hbm>> -> memref<10000xi32, #tpu.memory_space<hbm>>
    %dma_wait3A_69 = tpu.memref_slice %arg3[%add3A_54] : memref<1600000xi32, #tpu.memory_space<hbm>> -> memref<10000xi32, #tpu.memory_space<hbm>>
    tpu.wait_dma2 semaphore(%arg12 : memref<!tpu.dma_semaphore, #tpu.memory_space<semaphore_mem>>) src(%dma_wait3A_69 : memref<10000xi32, #tpu.memory_space<hbm>>) dst(%arg7 : memref<10000xi32, #tpu.memory_space<vmem>>)
    %parallel_loop3A_70 = arith.constant 0 : i32
    %parallel_loop3A_71 = arith.constant 625 : i32
    %parallel_loop3A_72 = arith.constant 1 : i32
    scf.for %parallel_loop3A_76 = %parallel_loop3A_70 to %parallel_loop3A_71 step %parallel_loop3A_72  : i32 {
      %parallel_loop3A_77 = arith.constant 16 : i32
      %parallel_loop3A_78 = arith.muli %parallel_loop3A_76, %parallel_loop3A_77 : i32
      %parallel_loop3A_79 = arith.index_cast %parallel_loop3A_78 : i32 to index
      %parallel_loop3A_80 = tpu.vector_load %arg7[%parallel_loop3A_79] {strides = array<i32>} : memref<10000xi32, #tpu.memory_space<vmem>>, vector<16xi32>,
      %parallel_loop3A_81 = arith.constant 16 : i32
      %parallel_loop3A_82 = arith.muli %parallel_loop3A_76, %parallel_loop3A_81 : i32
      %parallel_loop3A_83 = arith.index_cast %parallel_loop3A_82 : i32 to index
      %parallel_loop3A_84 = tpu.vector_load %arg5[%parallel_loop3A_83] {strides = array<i32>} : memref<10000xf32, #tpu.memory_space<vmem>>, vector<16xf32>,
      %parallel_loop3A_85 = arith.addi %mul3A_13, %parallel_loop3A_80 : vector<16xi32>
      tpu.vector_store_idx %arg9[%parallel_loop3A_85], %parallel_loop3A_84 {add = true} : memref<16400xf32, #tpu.memory_space<vmem>>[vector<16xi32>], vector<16xf32>,
    } {sc.loop_unroll_factor = 25 : i64, sc.parallel_access}
    %parallel_loop3A_73 = arith.constant 0 : i32
    %parallel_loop3A_74 = arith.constant 64 : i32
    %parallel_loop3A_75 = arith.constant 1 : i32
    scf.for %parallel_loop3A_76 = %parallel_loop3A_73 to %parallel_loop3A_74 step %parallel_loop3A_75  : i32 {
      %parallel_loop3A_77 = arith.constant 16 : i32
      %parallel_loop3A_78 = arith.muli %parallel_loop3A_76, %parallel_loop3A_77 : i32
      %parallel_loop3A_79 = vector.broadcast %parallel_loop3A_78 : i32 to vector<16xi32>
      %parallel_loop3A_80 = arith.addi %parallel_loop3A_79, %iota3A_14 : vector<16xi32>
      %parallel_loop3A_81 = tpu.vector_load_idx %arg9[%parallel_loop3A_80] : memref<16400xf32, #tpu.memory_space<vmem>>[vector<16xi32>], vector<16xf32>,
      %parallel_loop3A_82 = arith.constant 1025 : i32
      %parallel_loop3A_83 = vector.broadcast %parallel_loop3A_82 : i32 to vector<16xi32>
      %parallel_loop3A_84 = arith.addi %parallel_loop3A_80, %parallel_loop3A_83 : vector<16xi32>
      %parallel_loop3A_85 = tpu.vector_load_idx %arg9[%parallel_loop3A_84] : memref<16400xf32, #tpu.memory_space<vmem>>[vector<16xi32>], vector<16xf32>,
      %parallel_loop3A_86 = arith.addf %parallel_loop3A_81, %parallel_loop3A_85 : vector<16xf32>
      %parallel_loop3A_87 = arith.constant 2050 : i32
      %parallel_loop3A_88 = vector.broadcast %parallel_loop3A_87 : i32 to vector<16xi32>
      %parallel_loop3A_89 = arith.addi %parallel_loop3A_80, %parallel_loop3A_88 : vector<16xi32>
      %parallel_loop3A_90 = tpu.vector_load_idx %arg9[%parallel_loop3A_89] : memref<16400xf32, #tpu.memory_space<vmem>>[vector<16xi32>], vector<16xf32>,
      %parallel_loop3A_91 = arith.addf %parallel_loop3A_86, %parallel_loop3A_90 : vector<16xf32>
      %parallel_loop3A_92 = arith.constant 3075 : i32
      %parallel_loop3A_93 = vector.broadcast %parallel_loop3A_92 : i32 to vector<16xi32>
      %parallel_loop3A_94 = arith.addi %parallel_loop3A_80, %parallel_loop3A_93 : vector<16xi32>
      %parallel_loop3A_95 = tpu.vector_load_idx %arg9[%parallel_loop3A_94] : memref<16400xf32, #tpu.memory_space<vmem>>[vector<16xi32>], vector<16xf32>,
      %parallel_loop3A_96 = arith.addf %parallel_loop3A_91, %parallel_loop3A_95 : vector<16xf32>
      %parallel_loop3A_97 = arith.constant 4100 : i32
      %parallel_loop3A_98 = vector.broadcast %parallel_loop3A_97 : i32 to vector<16xi32>
      %parallel_loop3A_99 = arith.addi %parallel_loop3A_80, %parallel_loop3A_98 : vector<16xi32>
      %parallel_loop3A_100 = tpu.vector_load_idx %arg9[%parallel_loop3A_99] : memref<16400xf32, #tpu.memory_space<vmem>>[vector<16xi32>], vector<16xf32>,
      %parallel_loop3A_101 = arith.addf %parallel_loop3A_96, %parallel_loop3A_100 : vector<16xf32>
      %parallel_loop3A_102 = arith.constant 5125 : i32
      %parallel_loop3A_103 = vector.broadcast %parallel_loop3A_102 : i32 to vector<16xi32>
      %parallel_loop3A_104 = arith.addi %parallel_loop3A_80, %parallel_loop3A_103 : vector<16xi32>
      %parallel_loop3A_105 = tpu.vector_load_idx %arg9[%parallel_loop3A_104] : memref<16400xf32, #tpu.memory_space<vmem>>[vector<16xi32>], vector<16xf32>,
      %parallel_loop3A_106 = arith.addf %parallel_loop3A_101, %parallel_loop3A_105 : vector<16xf32>
      %parallel_loop3A_107 = arith.constant 6150 : i32
      %parallel_loop3A_108 = vector.broadcast %parallel_loop3A_107 : i32 to vector<16xi32>
      %parallel_loop3A_109 = arith.addi %parallel_loop3A_80, %parallel_loop3A_108 : vector<16xi32>
      %parallel_loop3A_110 = tpu.vector_load_idx %arg9[%parallel_loop3A_109] : memref<16400xf32, #tpu.memory_space<vmem>>[vector<16xi32>], vector<16xf32>,
      %parallel_loop3A_111 = arith.addf %parallel_loop3A_106, %parallel_loop3A_110 : vector<16xf32>
      %parallel_loop3A_112 = arith.constant 7175 : i32
      %parallel_loop3A_113 = vector.broadcast %parallel_loop3A_112 : i32 to vector<16xi32>
      %parallel_loop3A_114 = arith.addi %parallel_loop3A_80, %parallel_loop3A_113 : vector<16xi32>
      %parallel_loop3A_115 = tpu.vector_load_idx %arg9[%parallel_loop3A_114] : memref<16400xf32, #tpu.memory_space<vmem>>[vector<16xi32>], vector<16xf32>,
      %parallel_loop3A_116 = arith.addf %parallel_loop3A_111, %parallel_loop3A_115 : vector<16xf32>
      %parallel_loop3A_117 = arith.constant 8200 : i32
      %parallel_loop3A_118 = vector.broadcast %parallel_loop3A_117 : i32 to vector<16xi32>
      %parallel_loop3A_119 = arith.addi %parallel_loop3A_80, %parallel_loop3A_118 : vector<16xi32>
      %parallel_loop3A_120 = tpu.vector_load_idx %arg9[%parallel_loop3A_119] : memref<16400xf32, #tpu.memory_space<vmem>>[vector<16xi32>], vector<16xf32>,
      %parallel_loop3A_121 = arith.addf %parallel_loop3A_116, %parallel_loop3A_120 : vector<16xf32>
      %parallel_loop3A_122 = arith.constant 9225 : i32
      %parallel_loop3A_123 = vector.broadcast %parallel_loop3A_122 : i32 to vector<16xi32>
      %parallel_loop3A_124 = arith.addi %parallel_loop3A_80, %parallel_loop3A_123 : vector<16xi32>
      %parallel_loop3A_125 = tpu.vector_load_idx %arg9[%parallel_loop3A_124] : memref<16400xf32, #tpu.memory_space<vmem>>[vector<16xi32>], vector<16xf32>,
      %parallel_loop3A_126 = arith.addf %parallel_loop3A_121, %parallel_loop3A_125 : vector<16xf32>
      %parallel_loop3A_127 = arith.constant 10250 : i32
      %parallel_loop3A_128 = vector.broadcast %parallel_loop3A_127 : i32 to vector<16xi32>
      %parallel_loop3A_129 = arith.addi %parallel_loop3A_80, %parallel_loop3A_128 : vector<16xi32>
      %parallel_loop3A_130 = tpu.vector_load_idx %arg9[%parallel_loop3A_129] : memref<16400xf32, #tpu.memory_space<vmem>>[vector<16xi32>], vector<16xf32>,
      %parallel_loop3A_131 = arith.addf %parallel_loop3A_126, %parallel_loop3A_130 : vector<16xf32>
      %parallel_loop3A_132 = arith.constant 11275 : i32
      %parallel_loop3A_133 = vector.broadcast %parallel_loop3A_132 : i32 to vector<16xi32>
      %parallel_loop3A_134 = arith.addi %parallel_loop3A_80, %parallel_loop3A_133 : vector<16xi32>
      %parallel_loop3A_135 = tpu.vector_load_idx %arg9[%parallel_loop3A_134] : memref<16400xf32, #tpu.memory_space<vmem>>[vector<16xi32>], vector<16xf32>,
      %parallel_loop3A_136 = arith.addf %parallel_loop3A_131, %parallel_loop3A_135 : vector<16xf32>
      %parallel_loop3A_137 = arith.constant 12300 : i32
      %parallel_loop3A_138 = vector.broadcast %parallel_loop3A_137 : i32 to vector<16xi32>
      %parallel_loop3A_139 = arith.addi %parallel_loop3A_80, %parallel_loop3A_138 : vector<16xi32>
      %parallel_loop3A_140 = tpu.vector_load_idx %arg9[%parallel_loop3A_139] : memref<16400xf32, #tpu.memory_space<vmem>>[vector<16xi32>], vector<16xf32>,
      %parallel_loop3A_141 = arith.addf %parallel_loop3A_136, %parallel_loop3A_140 : vector<16xf32>
      %parallel_loop3A_142 = arith.constant 13325 : i32
      %parallel_loop3A_143 = vector.broadcast %parallel_loop3A_142 : i32 to vector<16xi32>
      %parallel_loop3A_144 = arith.addi %parallel_loop3A_80, %parallel_loop3A_143 : vector<16xi32>
      %parallel_loop3A_145 = tpu.vector_load_idx %arg9[%parallel_loop3A_144] : memref<16400xf32, #tpu.memory_space<vmem>>[vector<16xi32>], vector<16xf32>,
      %parallel_loop3A_146 = arith.addf %parallel_loop3A_141, %parallel_loop3A_145 : vector<16xf32>
      %parallel_loop3A_147 = arith.constant 14350 : i32
      %parallel_loop3A_148 = vector.broadcast %parallel_loop3A_147 : i32 to vector<16xi32>
      %parallel_loop3A_149 = arith.addi %parallel_loop3A_80, %parallel_loop3A_148 : vector<16xi32>
      %parallel_loop3A_150 = tpu.vector_load_idx %arg9[%parallel_loop3A_149] : memref<16400xf32, #tpu.memory_space<vmem>>[vector<16xi32>], vector<16xf32>,
      %parallel_loop3A_151 = arith.addf %parallel_loop3A_146, %parallel_loop3A_150 : vector<16xf32>
      %parallel_loop3A_152 = arith.constant 15375 : i32
      %parallel_loop3A_153 = vector.broadcast %parallel_loop3A_152 : i32 to vector<16xi32>
      %parallel_loop3A_154 = arith.addi %parallel_loop3A_80, %parallel_loop3A_153 : vector<16xi32>
      %parallel_loop3A_155 = tpu.vector_load_idx %arg9[%parallel_loop3A_154] : memref<16400xf32, #tpu.memory_space<vmem>>[vector<16xi32>], vector<16xf32>,
      %parallel_loop3A_156 = arith.addf %parallel_loop3A_151, %parallel_loop3A_155 : vector<16xf32>
      %parallel_loop3A_157 = arith.constant 16 : i32
      %parallel_loop3A_158 = arith.muli %parallel_loop3A_76, %parallel_loop3A_157 : i32
      %parallel_loop3A_159 = arith.index_cast %parallel_loop3A_158 : i32 to index
      %parallel_loop3A_160 = tpu.vector_load %arg10[%parallel_loop3A_159] {strides = array<i32>} : memref<1024xf32, #tpu.memory_space<vmem>>, vector<16xf32>,
      tpu.vector_store %arg10[%parallel_loop3A_159], %parallel_loop3A_156 {strides = array<i32>} : memref<1024xf32, #tpu.memory_space<vmem>>, vector<16xf32>,
    } {sc.loop_unroll_factor = 4 : i64, sc.parallel_access}
    "tpu.region"() ({
      %run_scoped3A = tpu.sem_alloc : memref<!tpu.dma_semaphore, #tpu.memory_space<semaphore_mem>>
      %dma_start3A_76 = arith.constant 0 : i32
      %dma_start3A_77 = tpu.memref_slice %arg4[%add3A, %dma_start3A_76] : memref<32x1024xf32, #tpu.memory_space<hbm>> -> memref<1x1024xf32, #tpu.memory_space<hbm>>
      %dma_start3A_78 = tpu.memref_squeeze %dma_start3A_77 : memref<1x1024xf32, #tpu.memory_space<hbm>> -> memref<1024xf32, #tpu.memory_space<hbm>>
      %dma_start3A_79 = arith.constant 0 : i32
      %dma_start3A_80 = tpu.memref_slice %arg4[%add3A, %dma_start3A_79] : memref<32x1024xf32, #tpu.memory_space<hbm>> -> memref<1x1024xf32, #tpu.memory_space<hbm>>
      %dma_start3A_81 = tpu.memref_squeeze %dma_start3A_80 : memref<1x1024xf32, #tpu.memory_space<hbm>> -> memref<1024xf32, #tpu.memory_space<hbm>>
      tpu.enqueue_dma source(%arg10 : memref<1024xf32, #tpu.memory_space<vmem>>) target(%dma_start3A_81 : memref<1024xf32, #tpu.memory_space<hbm>>) target_semaphore(%run_scoped3A : memref<!tpu.dma_semaphore, #tpu.memory_space<semaphore_mem>>)
      %dma_wait3A_82 = arith.constant 0 : i32
      %dma_wait3A_83 = tpu.memref_slice %arg4[%add3A, %dma_wait3A_82] : memref<32x1024xf32, #tpu.memory_space<hbm>> -> memref<1x1024xf32, #tpu.memory_space<hbm>>
      %dma_wait3A_84 = tpu.memref_squeeze %dma_wait3A_83 : memref<1x1024xf32, #tpu.memory_space<hbm>> -> memref<1024xf32, #tpu.memory_space<hbm>>
      %dma_wait3A_85 = arith.constant 0 : i32
      %dma_wait3A_86 = tpu.memref_slice %arg4[%add3A, %dma_wait3A_85] : memref<32x1024xf32, #tpu.memory_space<hbm>> -> memref<1x1024xf32, #tpu.memory_space<hbm>>
      %dma_wait3A_87 = tpu.memref_squeeze %dma_wait3A_86 : memref<1x1024xf32, #tpu.memory_space<hbm>> -> memref<1024xf32, #tpu.memory_space<hbm>>
      tpu.wait_dma2 semaphore(%run_scoped3A : memref<!tpu.dma_semaphore, #tpu.memory_space<semaphore_mem>>) src(%arg10 : memref<1024xf32, #tpu.memory_space<vmem>>) dst(%dma_wait3A_87 : memref<1024xf32, #tpu.memory_space<hbm>>)
      tpu.yield
    }) : () -> ()
    return
  }
}

module attributes {stable_mosaic.version = 14 : i64} {
  func.func @_tc_sum_body(%arg0: memref<32x1024xf32, #tpu.memory_space<vmem>>, %arg1: memref<1x1024xf32, #tpu.memory_space<vmem>>) attributes {dimension_semantics = [], scalar_prefetch = 0 : i64, scratch_operands = 0 : i64, tpu.core_type = #tpu.core_type<tc>} {
    %get3A = arith.constant 0 : index
    %get3A_0 = arith.constant 0 : index
    %get3A_1 = vector.load %arg0[%get3A, %get3A_0] : memref<32x1024xf32, #tpu.memory_space<vmem>>, vector<32x1024xf32>
    %reduce_sum3A = arith.constant dense<0.000000e+00> : vector<1024xf32>
    %reduce_sum3A_2 = vector.multi_reduction <add>, %get3A_1, %reduce_sum3A [0] : vector<32x1024xf32> to vector<1024xf32>
    %broadcast_in_dim3A = vector.shape_cast %reduce_sum3A_2 : vector<1024xf32> to vector<1x1024xf32>
    %swap3A = arith.constant 0 : index
    %swap3A_3 = arith.constant 0 : index
    %swap3A_4 = vector.load %arg1[%swap3A, %swap3A_3] : memref<1x1024xf32, #tpu.memory_space<vmem>>, vector<1x1024xf32>
    tpu.vector_store %arg1[%swap3A, %swap3A_3], %broadcast_in_dim3A {strides = array<i32>} : memref<1x1024xf32, #tpu.memory_space<vmem>>, vector<1x1024xf32>,
    return
  }
}

</mosaic_0001>

<sc_bundles>
// kernel: kernel.4.cloned.1.call-start
scs
__scs_entry_jumppad:
0x0: {  	(pc) =	sbr.rel $0x88, $3  }
0x1: {  	(tag) =	ssettag $0x0;
	lr =	simm.s32 $0x1  }
0x2: {  	[smem:$0x3F9F] =	sst lr;
	_ =	strace $0xD0000000  }
0x3: {  	_ = 	snop  }
0x4: {  	_ = 	snop  }
0x5: {  	_ = 	snop  }
0x6: {  	_ = 	snop  }
0x7: {  	_ = 	snop  }
__scs_overlays_trampoline_lowered:
0x8: {  	[smem:$0x3FAE] =	sst s0  }
0x9: {  	[smem:$0x3FAF] =	sst s1  }
0xa: {  	[smem:$0x3FB0] =	sst s2  }
0xb: {  	[smem:$0x3FB1] =	sst s3  }
0xc: {  	[smem:$0x3FB2] =	sst s4  }
0xd: {  	[smem:$0x3FB3] =	sst s5  }
0xe: {  	[smem:$0x3FB4] =	sst s6  }
0xf: {  	[smem:$0x3FB5] =	sst s7  }
0x10: {  	[smem:$0x3FB6] =	sst s8  }
0x11: {  	[smem:$0x3FB7] =	sst s9;
	s0 =	simm.s32 @!p0 $0x0  }
0x12: {  	s1 =	sld [smem:$0x3F9D];
	s0 =	simm.s32 @p0 $0x1  }
0x13: {  	[smem:$0x3FB8] =	sst s0;
	s0 =	simm.s32 @!p1 $0x0  }
0x14: {  	s2 =	sld [smem:$0x3F9C];
	s0 =	simm.s32 @p1 $0x1  }
0x15: {  	[smem:$0x3FB9] =	sst s0;
	s0 =	simm.s32 @!p2 $0x0  }
0x16: {  	s3 =	sld [smem:$0x3FDB];
	s0 =	simm.s32 @p2 $0x1  }
0x17: {  	s4 =	simm.s32 $0x1BF5;
	[smem:$0x3FBB] =	sst s0  }
0x18: {  	s0 =	sld [smem:$0x3F9E];
	_ =	swait.ge [sflag:s4], $0x0  }
0x19: {  	s7 =	sld [smem:$0x3F9F]  }
0x1a: {  	s8 =	sadd.s32 $0xFFFFE003, lr  }
0x1b: {  	s9 =	sadd.s32 $0xFFFFFEF7, lr;
	s5 =	simm.s32 $0xFFFFFFFF;
	p2 =	slt.u32 s8, $0xFFFFF086  }
0x1c: {  	p1 =	slt.u32 s9, $0xF7A;
	s5 =	simm.s32 @!p2 $0x0  }
0x1d: {  	s5 =	simm.s32 @p1 $0x1;
	p0 =	seq.s32 s7, s2  }
0x1e: {  	s7 =	smul.u32 @!p0 $0xF7A, s2;
	p2 =	seq.s32 @!p0 s5, $0x0  }
0x1f: {  	s9 =	smul.u32 $0xF7A, s1;
	s8 =	simm.s32 @!p0 $0x1BF5;
	p2 =	por !p2, p0  }
0x20: {  	[sflag:s8] =	ssyncset.s32 @!p0 $0xFFFFF086;
	s6 =	sadd.s32 @!p0 s3, s7;
	s7 =	simm.s32 @!p0 $0x108  }
0x21: {  	s3 =	sadd.s32 s3, s9;
	s6 =	sadd.s32 @!p0 $0x88, s6;
	s7 =	simm.s32 @p2 $0x1082  }
0x22: {  	[simem:s7], [sflag:s8] =	dma.local @!p0 [hbm:s6], $0xF7A  }
0x23: {  	s9 =	sor.u32 $0xD0000000, s2;
	s6 =	simm.s32 $0x108;
	_ =	swait.ge @!p0 [sflag:s8], $0x0  }
0x24: {  	s3 =	sadd.s32 $0x88, s3;
	s6 =	simm.s32 @!p1 $0x1082;
	[sflag:s4] =	ssyncset.s32 $0xFFFFF086  }
0x25: {  	[simem:s6], [sflag:s4] =	dma.local [hbm:s3], $0xF7A  }
0x26: {  	[smem:$0x3F9F] =	sst s1;
	(tag) =	ssettag s2;
	_ =	strace s9  }
0x27: {  	s1 =	sld [smem:$0x3FAF]  }
0x28: {  	s2 =	sld [smem:$0x3FB0]  }
0x29: {  	s4 =	sld [smem:$0x3FB2]  }
0x2a: {  	p0 =	seq.s32 s5, $0x0;
	s5 =	sld [smem:$0x3FB3]  }
0x2b: {  	s6 =	sld [smem:$0x3FB4]  }
0x2c: {  	s7 =	sld [smem:$0x3FB5]  }
0x2d: {  	s3 =	simm.s32 $0x108;
	s8 =	sld [smem:$0x3FB6]  }
0x2e: {  	s3 =	simm.s32 @!p0 $0x1082;
	s9 =	sld [smem:$0x3FB7]  }
0x2f: {  	lr =	sadd.s32 s0, s3;
	s0 =	sld [smem:$0x3FAE]  }
0x30: {  	s3 =	sld [smem:$0x3FB1]  }
0x31: {  	[smem:$0x3FBA] =	sst s10  }
0x32: {  	s10 =	sld [smem:$0x3FB8];
	_ =	sdelay $0x3  }
0x33: {  	p0 =	seq.s32 s10, $0x1;
	s10 =	sld [smem:$0x3FBA];
	_ =	sdelay $0x3  }
0x34: {  	[smem:$0x3FBA] =	sst s10  }
0x35: {  	s10 =	sld [smem:$0x3FB9];
	_ =	sdelay $0x3  }
0x36: {  	p1 =	seq.s32 s10, $0x1;
	s10 =	sld [smem:$0x3FBA];
	_ =	sdelay $0x3  }
0x37: {  	[smem:$0x3FBA] =	sst s10  }
0x38: {  	s10 =	sld [smem:$0x3FBB]  }
0x39: {  	_ = 	snop;
	(pc) =	sbr.ind lr, $3  }
0x3a: {  	_ = 	snop  }
0x3b: {  	_ = 	snop  }
0x3c: {  	p2 =	seq.s32 s10, $0x1;
	s10 =	sld [smem:$0x3FBA]  }
0x3d: {  	_ =	shalt  }
0x3e: {  	_ =	shalt  }
0x3f: {  	_ =	shalt  }
0x40: {  	_ =	shalt  }
0x41: {  	_ =	shalt  }
0x42: {  	_ =	shalt  }
0x43: {  	_ =	shalt  }
0x44: {  	_ =	shalt  }
0x45: {  	_ =	shalt  }
0x46: {  	_ =	shalt  }
0x47: {  	_ =	shalt  }
0x48: {  	_ =	shalt  }
0x49: {  	_ =	shalt  }
0x4a: {  	_ =	shalt  }
0x4b: {  	_ =	shalt  }
0x4c: {  	_ =	shalt  }
0x4d: {  	_ =	shalt  }
0x4e: {  	_ =	shalt  }
0x4f: {  	_ =	shalt  }
0x50: {  	_ =	shalt  }
0x51: {  	_ =	shalt  }
0x52: {  	_ =	shalt  }
0x53: {  	_ =	shalt  }
0x54: {  	_ =	shalt  }
0x55: {  	_ =	shalt  }
0x56: {  	_ =	shalt  }
0x57: {  	_ =	shalt  }
0x58: {  	_ =	shalt  }
0x59: {  	_ =	shalt  }
0x5a: {  	_ =	shalt  }
0x5b: {  	_ =	shalt  }
0x5c: {  	_ =	shalt  }
0x5d: {  	_ =	shalt  }
0x5e: {  	_ =	shalt  }
0x5f: {  	_ =	shalt  }
0x60: {  	_ =	shalt  }
0x61: {  	_ =	shalt  }
0x62: {  	_ =	shalt  }
0x63: {  	_ =	shalt  }
0x64: {  	_ =	shalt  }
0x65: {  	_ =	shalt  }
0x66: {  	_ =	shalt  }
0x67: {  	_ =	shalt  }
0x68: {  	_ =	shalt  }
0x69: {  	_ =	shalt  }
0x6a: {  	_ =	shalt  }
0x6b: {  	_ =	shalt  }
0x6c: {  	_ =	shalt  }
0x6d: {  	_ =	shalt  }
0x6e: {  	_ =	shalt  }
0x6f: {  	_ =	shalt  }
0x70: {  	_ =	shalt  }
0x71: {  	_ =	shalt  }
0x72: {  	_ =	shalt  }
0x73: {  	_ =	shalt  }
0x74: {  	_ =	shalt  }
0x75: {  	_ =	shalt  }
0x76: {  	_ =	shalt  }
0x77: {  	_ =	shalt  }
0x78: {  	_ =	shalt  }
0x79: {  	_ =	shalt  }
0x7a: {  	_ =	shalt  }
0x7b: {  	_ =	shalt  }
0x7c: {  	_ =	shalt  }
0x7d: {  	_ =	shalt  }
0x7e: {  	_ =	shalt  }
0x7f: {  	_ =	shalt  }
0x80: {  	_ =	shalt  }
0x81: {  	_ =	shalt  }
0x82: {  	_ =	shalt  }
0x83: {  	_ =	shalt  }
0x84: {  	_ =	shalt  }
0x85: {  	_ =	shalt  }
0x86: {  	_ =	shalt  }
0x87: {  	_ =	shalt  }
.Lfunc_end0:
.L_simem_size_0:
called_computation_lowered:
.L_overlay_start_0:
0x88: {  	s2 =	sld [smem:$0x3FD9]  }
0x89: {  	s3 =	sld [smem:$0x3FFE];
	_ =	sdelay $0x1  }
0x8a: {  	s1 =	srdreg.scid  }
0x8b: {  	s0 =	sand.u32 $0x1, s1  }
0x8c: {  	s17 =	sshll.u32 s0, $0xA;
	s2 =	sadd.s32 s3, s2  }
0x8d: {  	s2 =	sadd.s32 s2, s17  }
0x8e: {  	[smem:$0x3FC6] =	sst s2  }
0x8f: {  	_ = 	snop  }
0x90: {  	s2 =	sld [smem:$0x3FC9]  }
0x91: {  	s18 =	sld [smem:$0x3FC8];
	(tm) =	ssettm $0x1  }
0x92: {  	s4 =	sld [smem:$0x3FFB];
	_ =	sdelay $0x3  }
0x93: {  	_ =	strace s4  }
0x94: {  	s4 =	sld [smem:$0x3FFC];
	_ =	sdelay $0x3  }
0x95: {  	_ =	strace s4  }
0x96: {  	s4 =	sld [smem:$0x3FFD];
	_ =	sdelay $0x3  }
0x97: {  	_ =	strace s4  }
0x98: {  	_ =	strace $0x8FFFFFFF  }
0x99: {  	s19 =	sld [smem:$0x3FDB];
	_ =	sdelay $0x1  }
0x9a: {  	s5 =	simm.s32 $_scs_section_size  }
0x9b: {  	s6 =	simm.s32 $_size__tile_overlayer_lowered;
	s7 =	simm.s32 $_tile_overlayer_lowered  }
0x9c: {  	s22 =	simm.s32 $0x1BFF;
	s21 =	sshll.u32 s7, $0x1;
	s4 =	sadd.s32 s5, s19  }
0x9d: {  	s8 =	simm.s32 $0x0;
	s20 =	sshll.u32 s6, $0x1;
	s6 =	sadd.s32 s21, s4  }
0x9e: {  	[timem:s8], [sflag:s22] =	dma.local [hbm:s6], s20  }
0x9f: {  	_ =	swait.ge [sflag:s22], s20  }
0xa0: {  	s5 =	ssub.s32 $0x0, s20;
	[sflag:s22] =	ssyncset.done $0x0  }
0xa1: {  	[sflag:s22] =	ssyncadd.s32 s5;
	_ =	sdelay $0x1  }
0xa2: {  	s23 =	simm.s32 $0x1B8B  }
0xa3: {  	_ =	swait.ge [sflag:s23], $0x1  }
0xa4: {  	[sflag:s23] =	ssyncset.done $0x0  }
0xa5: {  	s25 =	simm.s32 $0x1B8E;
	s24 =	sld [smem:$0x3FFE];
	[sflag:s23] =	ssyncadd.s32 $0xFFFFFFFF  }
0xa6: {  	s26 =	simm.s32 $execute0_lowered;
	[smem:$0x3FD2] =	sst s25  }
0xa7: {  	s6 =	sshll.u32 s26, $0x1;
	_ =	strace $0x80000046;
	[dreg:$0x1] =	wrdreg $0xFFFFFFFF  }
0xa8: {  	s28 =	simm.s32 $_size_execute0_lowered;
	s4 =	sadd.s32 s4, s6;
	[dreg:$0x0] =	wrdreg $0x0  }
0xa9: {  	s6 =	sshll.u32 s28, $0x1;
	[dreg:$0x2] =	wrdreg s4  }
0xaa: {  	[dreg:$0x3] =	wrdreg s6  }
0xab: {  	[dreg:$0x4] =	wrdreg $0xC0  }
0xac: {  	_ =	task [dreg:s8], $0x5FFFF  }
0xad: {  	[dreg:$0x1] =	wrdreg $0xFFFFFFFF  }
0xae: {  	[dreg:$0x0] =	wrdreg $0x60  }
0xaf: {  	[dreg:$0x2] =	wrdreg s2  }
0xb0: {  	[dreg:$0x3] =	wrdreg s18  }
0xb1: {  	[dreg:$0x4] =	wrdreg s24  }
0xb2: {  	[dreg:$0x5] =	wrdreg $0x9  }
0xb3: {  	_ =	task.clear_ibuf [dreg:s8], $0x6FFFF;
	_ =	strace $0x90000046  }
0xb4: {  	s29 =	simm.s32 $0x9;
	_ =	strace $0x80000048  }
0xb5: {  	_ =	swait.ge [sflag:s29], $0x1  }
0xb6: {  	[sflag:s29] =	ssyncadd.s32 $0xFFFFFFFF  }
0xb7: {  	_ =	strace $0x90000048  }
0xb8: {  	_ =	sfence  }
0xb9: {  	s30 =	sld [smem:$0x0];
	_ =	sdelay $0x2  }
0xba: {  	s31 =	sshll.u32 s1, $0xD;
	s1 =	sshrl.u32 s1, $0x2  }
0xbb: {  	s3 =	sand.u32 $0x4000, s31;
	s1 =	sadd.s32 s1, s30  }
0xbc: {  	s0 =	sor.u32 s3, s0;
	s1 =	sshll.u32 s1, $0x11  }
0xbd: {  	s0 =	sor.u32 s1, s0  }
0xbe: {  	s0 =	sadd.s32 $0x8F2B, s0  }
0xbf: {  	[sflag:s0] =	ssyncadd.remote.s32 $0x1  }
0xc0: {  	_ =	sfence.sel $0xFFFF  }
0xc1: {  	[dreg:$0x0] =	wrdreg $0xFFFFFFFF;
	(pc) =	sbr.abs _section_cstart, $3  }
0xc2: {  	[dreg:$0x1] =	wrdreg $0xFFFFFFFF  }
0xc3: {  	_ =	task.clear_ibuf [dreg:s8], $0x2FFFF;
	_ =	strace $0x9FFFFFFF  }
0xc4: {  	(tm) =	ssettm $0x7FFFFFFF  }
0xc5: {  	_ =	shalt  }
tec
execute0_lowered:
.L_overlay_start_1:
0x0: {  	(tag) =	ssettag $0x1  }
0x1: {  	s0 =	rddreg [dreg:$0x0]  }
0x2: {  	s12 =	rddreg [dreg:$0x1]  }
0x3: {  	s3 =	rddreg [dreg:$0x2];
	s1 =	stileid.u32  }
0x4: {  	s4 =	srdreg.scid;
	s2 =	simm.s32 $0x0;
	s16 =	simm.s32 $0x2780  }
0x5: {  	s17 =	simm.s32 $0x7680;
	s18 =	simm.s32 $0x1;
	s19 =	simm.s32 $0x2  }
0x6: {  	s20 =	simm.s32 $0x9E00;
	s21 =	simm.s32 $0x80;
	s22 =	simm.s32 $0x400  }
0x7: {  	s23 =	simm.s32 $0xDE80;
	s24 =	simm.s32 $0x3;
	s25 =	simm.s32 $0x0  }
0x8: {  	s4 =	sand.u32 $0x1, s4;
	s5 =	sshll.u32 s1, $0x1;
	[smem:$0x7FF] =	sst s2  }
0x9: {  	s31 =	sshll.u32 s1, $0x8;
	s8 =	sor.u32 s4, s5;
	s4 =	ssub.s32 $0x2, s4  }
0xa: {  	_ =	strace $0x80000047;
	s5 =	sand.u32 $0xC00, s31;
	s6 =	smul.u32 $0xC350, s8  }
0xb: {  	s7 =	sshrl.u32 s4, $0x1;
	s11 =	sadd.s32 s5, s3;
	s15 =	sshll.u32 s8, $0x4  }
0xc: {  	v9 =	vlaneseq.u32;
	s14 =	ssub.s32 s4, s7;
	s15 =	sand.u32 $0x70, s15;
	s13 =	sshrl.u32 s6, $0x3  }
0xd: {  	v0 =	vimm.f32 $0.0e+00;
	v2 =	vmul.u32 $0x401, v9;
	s15 =	sadd.s32 s15, s11;
	s14 =	smax.u32 s14, $0x1;
	s3 =	sadd.s32 s0, s13  }
0xe: {  	v10 =	vadd.s32 $0x401, v9;
	v11 =	vadd.s32 $0x802, v9;
	v12 =	vadd.s32 $0xC03, v9;
	s4 =	sadd.s32 s12, s13;
	s6 =	sadd.s32 $0x4E2, s13;
	s9 =	sadd.s32 $0x9C4, s13  }
0xf: {  	v13 =	vadd.s32 $0x1004, v9;
	v14 =	vadd.s32 $0x1405, v9;
	v15 =	vadd.s32 $0x1806, v9;
	s10 =	sadd.s32 $0xEA6, s13;
	s13 =	sadd.s32 $0x1388, s13;
	s5 =	sadd.s32 s0, s6  }
0x10: {  	v16 =	vadd.s32 $0x1C07, v9;
	v17 =	vadd.s32 $0x2008, v9;
	v4 =	vadd.s32 $0x2409, v9;
	s6 =	sadd.s32 s12, s6;
	s7 =	sadd.s32 s0, s9;
	s8 =	sadd.s32 s12, s9  }
0x11: {  	v5 =	vadd.s32 $0x280A, v9;
	v6 =	vadd.s32 $0x2C0B, v9;
	v7 =	vadd.s32 $0x300C, v9;
	s9 =	sadd.s32 s0, s10;
	s10 =	sadd.s32 s12, s10;
	s11 =	sadd.s32 s0, s13  }
0x12: {  	v8 =	vadd.s32 $0x340D, v9;
	v57 =	vadd.s32 $0x380E, v9;
	v58 =	vadd.s32 $0x3C0F, v9;
	s12 =	sadd.s32 s12, s13;
	s13 =	sadd.s32 $0x600, s15;
	s15 =	simm.s32 $0x4F00  }
.LBB2_1:
0x13: {  	[tilespmem:s2], [sflag:$0x1] =	stream.linear.gather [hbm4b:s3+s2], $0x2710, $0x38;
	[tilespmem:$0xE280] =	vst v63  }
0x14: {  	s0 =	simm.s32 $0x9E40  }
0x15: {  	[tilespmem:s15], [sflag:$0x2] =	stream.linear.gather [hbm4b:s4+s2], $0x2710, $0x38;
	[tilespmem:$0xE280] =	vst v63  }
0x16: {  	[tilespmem:s0+$0xFFFFFFC0] =	vst v0  }
0x17: {  	[tilespmem:s0+$0x30] =	vst v0  }
0x18: {  	[tilespmem:s0+$0x20] =	vst v0  }
0x19: {  	[tilespmem:s0+$0x10] =	vst v0  }
0x1a: {  	[tilespmem:s0+$0x0] =	vst v0  }
0x1b: {  	[tilespmem:s0+$0xFFFFFFF0] =	vst v0  }
0x1c: {  	s26 =	simm.s32 $0x0;
	[tilespmem:s0+$0xFFFFFFE0] =	vst v0  }
.LBB2_2:
0x1d: {  	s26 =	sadd.s32 $0x8, s26;
	[tilespmem:s0+$0xFFFFFFD0] =	vst v0;
	s0 =	sadd.s32 $0x80, s0  }
0x1e: {  	[tilespmem:s0+$0xFFFFFFC0] =	vst v0;
	p0 =	slt.u32 s26, $0x3F8  }
0x1f: {  	[tilespmem:s0+$0x30] =	vst v0  }
.Ltmp0:
0x20: {  	[tilespmem:s0+$0x20] =	vst v0;
	(pc) =	sbr.rel @p0 .LBB2_2-.Ltmp0, $4  }
0x21: {  	[tilespmem:s0+$0x10] =	vst v0  }
0x22: {  	[tilespmem:s0+$0x0] =	vst v0  }
0x23: {  	[tilespmem:s0+$0xFFFFFFF0] =	vst v0  }
0x24: {  	[tilespmem:s0+$0xFFFFFFE0] =	vst v0  }
0x25: {  	[tilespmem:s0+$0xFFFFFFD0] =	vst v0  }
0x26: {  	s26 =	simm.s32 $0x0;
	[tilespmem:$0xDE00] =	vst v0  }
0x27: {  	[tilespmem:s16], [sflag:$0x1] =	stream.linear.gather [hbm4b:s5+s26], $0x2710, $0x38;
	[tilespmem:$0xE280] =	vst v63  }
0x28: {  	_ = 	snop  }
0x29: {  	[tilespmem:s17], [sflag:$0x2] =	stream.linear.gather [hbm4b:s6+s26], $0x2710, $0x38;
	[tilespmem:$0xE280] =	vst v63  }
0x2a: {  	_ =	swait.ge [sflag:s18], $0x2710  }
0x2b: {  	[sflag:s18] =	ssyncset.done $0x0  }
0x2c: {  	[sflag:s18] =	ssyncadd.s32 $0xFFFFD8F0  }
0x2d: {  	_ =	swait.ge [sflag:s19], $0x2710  }
0x2e: {  	[sflag:s19] =	ssyncset.done $0x0  }
0x2f: {  	s31 =	simm.s32 $0xC0;
	[sflag:s19] =	ssyncadd.s32 $0xFFFFD8F0  }
0x30: {  	s28 =	simm.s32 $0x4FC0;
	v0 =	vld [tilespmem:s31+$0xB0]  }
0x31: {  	s29 =	sand.u32 $0x3FF0, s26;
	v1 =	vld [tilespmem:s28+$0xB0]  }
0x32: {  	v3 =	vld [tilespmem:s29+$0x5080]  }
0x33: {  	v18 =	vld [tilespmem:s29+$0x4F80]  }
0x34: {  	v19 =	vld [tilespmem:s29+$0x5000]  }
0x35: {  	v20 =	vld [tilespmem:s29+$0x80]  }
0x36: {  	v21 =	vld [tilespmem:s29+$0x100]  }
0x37: {  	v22 =	vld [tilespmem:s29+$0x180]  }
0x38: {  	v23 =	vld [tilespmem:s28+$0xFFFFFF50]  }
0x39: {  	v24 =	vld [tilespmem:s28+$0xFFFFFF60]  }
0x3a: {  	v25 =	vld [tilespmem:s28+$0xFFFFFF70]  }
0x3b: {  	v60 =	vld [tilespmem:s28+$0xFFFFFFE0]  }
0x3c: {  	v61 =	vld [tilespmem:s28+$0xFFFFFFF0]  }
0x3d: {  	v62 =	vld [tilespmem:s28+$0x0]  }
0x3e: {  	v26 =	vld [tilespmem:s28+$0x10]  }
0x3f: {  	v27 =	vld [tilespmem:s28+$0x20]  }
0x40: {  	v28 =	vld [tilespmem:s28+$0x30]  }
0x41: {  	v29 =	vld [tilespmem:s28+$0x50]  }
0x42: {  	v30 =	vld [tilespmem:s28+$0x60]  }
0x43: {  	v31 =	vld [tilespmem:s28+$0x70]  }
0x44: {  	v32 =	vld [tilespmem:s28+$0x80]  }
0x45: {  	v33 =	vld [tilespmem:s28+$0x90]  }
0x46: {  	v34 =	vld [tilespmem:s28+$0xA0]  }
0x47: {  	v35 =	vld [tilespmem:s28+$0xFFFFFF40]  }
0x48: {  	v36 =	vld [tilespmem:s31+$0xFFFFFF40]  }
0x49: {  	v37 =	vld [tilespmem:s31+$0xFFFFFF50]  }
0x4a: {  	v38 =	vld [tilespmem:s31+$0xFFFFFF60]  }
0x4b: {  	v39 =	vld [tilespmem:s31+$0xFFFFFF70]  }
0x4c: {  	v40 =	vld [tilespmem:s31+$0xFFFFFF80]  }
0x4d: {  	v41 =	vld [tilespmem:s31+$0xFFFFFF90]  }
0x4e: {  	v42 =	vld [tilespmem:s31+$0xFFFFFFA0]  }
0x4f: {  	v43 =	vld [tilespmem:s31+$0xFFFFFFB0]  }
0x50: {  	v44 =	vld [tilespmem:s31+$0xFFFFFFD0]  }
0x51: {  	v45 =	vld [tilespmem:s31+$0xFFFFFFE0]  }
0x52: {  	v46 =	vld [tilespmem:s31+$0xFFFFFFF0]  }
0x53: {  	v47 =	vld [tilespmem:s31+$0x0]  }
0x54: {  	v48 =	vld [tilespmem:s31+$0x10]  }
0x55: {  	v49 =	vld [tilespmem:s31+$0x20]  }
0x56: {  	v50 =	vld [tilespmem:s31+$0x30]  }
0x57: {  	v51 =	vld [tilespmem:s31+$0x50]  }
0x58: {  	v52 =	vld [tilespmem:s31+$0x60];
	v1 =	vadd.s32 v2, v1  }
0x59: {  	v53 =	vld [tilespmem:s31+$0x70];
	v3 =	vadd.s32 v2, v3  }
0x5a: {  	v54 =	vld [tilespmem:s31+$0x80];
	v18 =	vadd.s32 v2, v18  }
0x5b: {  	v55 =	vld [tilespmem:s31+$0x90];
	v19 =	vadd.s32 v2, v19  }
0x5c: {  	v56 =	vld [tilespmem:s31+$0xA0]  }
0x5d: {  	[tilespmem:v1+s20+$0x0] =	vst.idx.add.f32.msk $0xffff, v0  }
0x5e: {  	[tilespmem:v3+s20+$0x0] =	vst.idx.add.f32.msk $0xffff, v22  }
0x5f: {  	[tilespmem:v18+s20+$0x0] =	vst.idx.add.f32.msk $0xffff, v20  }
0x60: {  	[tilespmem:v19+s20+$0x0] =	vst.idx.add.f32.msk $0xffff, v21  }
0x61: {  	v35 =	vadd.s32 v2, v35;
	v0 =	vld [tilespmem:s28+$0xFFFFFF80]  }
0x62: {  	v23 =	vadd.s32 v2, v23;
	v1 =	vld [tilespmem:s28+$0xFFFFFF90]  }
0x63: {  	v24 =	vadd.s32 v2, v24;
	v3 =	vld [tilespmem:s28+$0xFFFFFFA0]  }
0x64: {  	v25 =	vadd.s32 v2, v25;
	v18 =	vld [tilespmem:s28+$0xFFFFFFB0]  }
0x65: {  	v63 =	vadd.s32 v2, v29;
	v19 =	vld [tilespmem:s28+$0xFFFFFFD0]  }
0x66: {  	[tilespmem:v35+s20+$0x0] =	vst.idx.add.f32.msk $0xffff, v36;
	v20 =	vadd.s32 v2, v60  }
0x67: {  	[tilespmem:v23+s20+$0x0] =	vst.idx.add.f32.msk $0xffff, v37;
	v0 =	vadd.s32 v2, v0  }
0x68: {  	[tilespmem:v24+s20+$0x0] =	vst.idx.add.f32.msk $0xffff, v38;
	v1 =	vadd.s32 v2, v1  }
0x69: {  	[tilespmem:v25+s20+$0x0] =	vst.idx.add.f32.msk $0xffff, v39;
	v3 =	vadd.s32 v2, v3  }
0x6a: {  	[tilespmem:v63+s20+$0x0] =	vst.idx.add.f32.msk $0xffff, v51;
	v18 =	vadd.s32 v2, v18  }
0x6b: {  	v19 =	vadd.s32 v2, v19;
	[tilespmem:v20+s20+$0x0] =	vst.idx.add.f32.msk $0xffff, v45  }
0x6c: {  	[tilespmem:v0+s20+$0x0] =	vst.idx.add.f32.msk $0xffff, v40;
	v0 =	vadd.s32 v2, v61  }
0x6d: {  	[tilespmem:v1+s20+$0x0] =	vst.idx.add.f32.msk $0xffff, v41;
	v1 =	vadd.s32 v2, v62  }
0x6e: {  	[tilespmem:v3+s20+$0x0] =	vst.idx.add.f32.msk $0xffff, v42;
	v3 =	vadd.s32 v2, v26  }
0x6f: {  	[tilespmem:v18+s20+$0x0] =	vst.idx.add.f32.msk $0xffff, v43;
	v18 =	vadd.s32 v2, v27  }
0x70: {  	[tilespmem:v19+s20+$0x0] =	vst.idx.add.f32.msk $0xffff, v44;
	v19 =	vadd.s32 v2, v28  }
0x71: {  	[tilespmem:v0+s20+$0x0] =	vst.idx.add.f32.msk $0xffff, v46;
	v0 =	vadd.s32 v2, v30  }
0x72: {  	[tilespmem:v1+s20+$0x0] =	vst.idx.add.f32.msk $0xffff, v47;
	v1 =	vadd.s32 v2, v31  }
0x73: {  	[tilespmem:v3+s20+$0x0] =	vst.idx.add.f32.msk $0xffff, v48;
	v3 =	vadd.s32 v2, v32  }
0x74: {  	[tilespmem:v18+s20+$0x0] =	vst.idx.add.f32.msk $0xffff, v49;
	v18 =	vadd.s32 v2, v33  }
0x75: {  	[tilespmem:v19+s20+$0x0] =	vst.idx.add.f32.msk $0xffff, v50;
	v19 =	vadd.s32 v2, v34  }
0x76: {  	[tilespmem:v0+s20+$0x0] =	vst.idx.add.f32.msk $0xffff, v52  }
0x77: {  	[tilespmem:v1+s20+$0x0] =	vst.idx.add.f32.msk $0xffff, v53  }
0x78: {  	[tilespmem:v3+s20+$0x0] =	vst.idx.add.f32.msk $0xffff, v54  }
0x79: {  	[tilespmem:v18+s20+$0x0] =	vst.idx.add.f32.msk $0xffff, v55  }
0x7a: {  	s30 =	simm.s32 $0x250;
	s29 =	simm.s32 $0x0;
	[tilespmem:v19+s20+$0x0] =	vst.idx.add.f32.msk $0xffff, v56  }
.LBB2_4:
0x7b: {  	v0 =	vld [tilespmem:s30+$0xB0];
	s26 =	sadd.s32 $0x190, s26;
	s28 =	sadd.s32 $0x190, s28  }
0x7c: {  	s29 =	sadd.s32 $0x19, s29;
	s0 =	sand.u32 $0x3FF0, s26;
	v1 =	vld [tilespmem:s28+$0xB0]  }
0x7d: {  	p0 =	slt.u32 s29, $0x258;
	v3 =	vld [tilespmem:s0+$0x5080]  }
0x7e: {  	v18 =	vld [tilespmem:s0+$0x4F80]  }
0x7f: {  	v19 =	vld [tilespmem:s0+$0x5000]  }
0x80: {  	v20 =	vld [tilespmem:s0+$0x80]  }
0x81: {  	v21 =	vld [tilespmem:s0+$0x100];
	v1 =	vadd.s32 v2, v1  }
0x82: {  	v22 =	vld [tilespmem:s0+$0x180];
	v3 =	vadd.s32 v2, v3  }
0x83: {  	v23 =	vld [tilespmem:s28+$0xFFFFFF50];
	v18 =	vadd.s32 v2, v18  }
0x84: {  	v24 =	vld [tilespmem:s28+$0xFFFFFF60];
	v19 =	vadd.s32 v2, v19  }
0x85: {  	v25 =	vld [tilespmem:s28+$0xFFFFFF70]  }
0x86: {  	[tilespmem:v1+s20+$0x0] =	vst.idx.add.f32.msk $0xffff, v0  }
0x87: {  	[tilespmem:v3+s20+$0x0] =	vst.idx.add.f32.msk $0xffff, v22  }
0x88: {  	v0 =	vadd.s32 v2, v23;
	[tilespmem:v18+s20+$0x0] =	vst.idx.add.f32.msk $0xffff, v20  }
0x89: {  	v1 =	vadd.s32 v2, v24;
	[tilespmem:v19+s20+$0x0] =	vst.idx.add.f32.msk $0xffff, v21  }
0x8a: {  	v3 =	vadd.s32 v2, v25;
	v18 =	vld [tilespmem:s28+$0xFFFFFF80]  }
0x8b: {  	v19 =	vld [tilespmem:s28+$0xFFFFFF90]  }
0x8c: {  	v20 =	vld [tilespmem:s28+$0xFFFFFFA0]  }
0x8d: {  	v21 =	vld [tilespmem:s28+$0xFFFFFFB0]  }
0x8e: {  	v22 =	vld [tilespmem:s28+$0xFFFFFFD0]  }
0x8f: {  	v18 =	vadd.s32 v2, v18;
	v23 =	vld [tilespmem:s28+$0xFFFFFFE0]  }
0x90: {  	v19 =	vadd.s32 v2, v19;
	v24 =	vld [tilespmem:s28+$0xFFFFFFF0]  }
0x91: {  	v20 =	vadd.s32 v2, v20;
	v25 =	vld [tilespmem:s28+$0x0]  }
0x92: {  	v21 =	vadd.s32 v2, v21;
	v26 =	vld [tilespmem:s28+$0x10]  }
0x93: {  	v22 =	vadd.s32 v2, v22;
	v27 =	vld [tilespmem:s28+$0x20]  }
0x94: {  	v23 =	vadd.s32 v2, v23;
	v28 =	vld [tilespmem:s28+$0x30]  }
0x95: {  	v24 =	vadd.s32 v2, v24;
	v29 =	vld [tilespmem:s28+$0x50]  }
0x96: {  	v25 =	vadd.s32 v2, v25;
	v30 =	vld [tilespmem:s28+$0x60]  }
0x97: {  	v26 =	vadd.s32 v2, v26;
	v31 =	vld [tilespmem:s28+$0x70]  }
0x98: {  	v27 =	vadd.s32 v2, v27;
	v32 =	vld [tilespmem:s28+$0x80]  }
0x99: {  	v28 =	vadd.s32 v2, v28;
	v33 =	vld [tilespmem:s28+$0x90]  }
0x9a: {  	v29 =	vadd.s32 v2, v29;
	v34 =	vld [tilespmem:s28+$0xA0]  }
0x9b: {  	v35 =	vld [tilespmem:s28+$0xFFFFFF40];
	v30 =	vadd.s32 v2, v30  }
0x9c: {  	v36 =	vld [tilespmem:s30+$0xFFFFFF40];
	v31 =	vadd.s32 v2, v31  }
0x9d: {  	v37 =	vld [tilespmem:s30+$0xFFFFFF50];
	v32 =	vadd.s32 v2, v32  }
0x9e: {  	v38 =	vld [tilespmem:s30+$0xFFFFFF60];
	v33 =	vadd.s32 v2, v33  }
0x9f: {  	v39 =	vld [tilespmem:s30+$0xFFFFFF70];
	v34 =	vadd.s32 v2, v34  }
0xa0: {  	v35 =	vadd.s32 v2, v35;
	v40 =	vld [tilespmem:s30+$0xFFFFFF80]  }
0xa1: {  	v41 =	vld [tilespmem:s30+$0xFFFFFF90]  }
0xa2: {  	v42 =	vld [tilespmem:s30+$0xFFFFFFA0]  }
0xa3: {  	v43 =	vld [tilespmem:s30+$0xFFFFFFB0]  }
0xa4: {  	v44 =	vld [tilespmem:s30+$0xFFFFFFD0]  }
0xa5: {  	v45 =	vld [tilespmem:s30+$0xFFFFFFE0]  }
0xa6: {  	v46 =	vld [tilespmem:s30+$0xFFFFFFF0]  }
0xa7: {  	v47 =	vld [tilespmem:s30+$0x0]  }
0xa8: {  	v48 =	vld [tilespmem:s30+$0x10]  }
0xa9: {  	v49 =	vld [tilespmem:s30+$0x20]  }
0xaa: {  	v50 =	vld [tilespmem:s30+$0x30]  }
0xab: {  	v51 =	vld [tilespmem:s30+$0x50]  }
0xac: {  	v52 =	vld [tilespmem:s30+$0x60]  }
0xad: {  	v53 =	vld [tilespmem:s30+$0x70]  }
0xae: {  	v54 =	vld [tilespmem:s30+$0x80]  }
0xaf: {  	v55 =	vld [tilespmem:s30+$0x90]  }
0xb0: {  	v56 =	vld [tilespmem:s30+$0xA0]  }
0xb1: {  	[tilespmem:v35+s20+$0x0] =	vst.idx.add.f32.msk $0xffff, v36  }
0xb2: {  	[tilespmem:v0+s20+$0x0] =	vst.idx.add.f32.msk $0xffff, v37  }
0xb3: {  	[tilespmem:v1+s20+$0x0] =	vst.idx.add.f32.msk $0xffff, v38  }
0xb4: {  	[tilespmem:v3+s20+$0x0] =	vst.idx.add.f32.msk $0xffff, v39  }
0xb5: {  	[tilespmem:v18+s20+$0x0] =	vst.idx.add.f32.msk $0xffff, v40  }
0xb6: {  	[tilespmem:v19+s20+$0x0] =	vst.idx.add.f32.msk $0xffff, v41  }
0xb7: {  	[tilespmem:v20+s20+$0x0] =	vst.idx.add.f32.msk $0xffff, v42  }
0xb8: {  	[tilespmem:v21+s20+$0x0] =	vst.idx.add.f32.msk $0xffff, v43  }
0xb9: {  	[tilespmem:v22+s20+$0x0] =	vst.idx.add.f32.msk $0xffff, v44  }
0xba: {  	[tilespmem:v23+s20+$0x0] =	vst.idx.add.f32.msk $0xffff, v45  }
0xbb: {  	[tilespmem:v24+s20+$0x0] =	vst.idx.add.f32.msk $0xffff, v46  }
0xbc: {  	[tilespmem:v25+s20+$0x0] =	vst.idx.add.f32.msk $0xffff, v47  }
0xbd: {  	[tilespmem:v26+s20+$0x0] =	vst.idx.add.f32.msk $0xffff, v48  }
0xbe: {  	[tilespmem:v27+s20+$0x0] =	vst.idx.add.f32.msk $0xffff, v49  }
0xbf: {  	[tilespmem:v28+s20+$0x0] =	vst.idx.add.f32.msk $0xffff, v50  }
0xc0: {  	[tilespmem:v29+s20+$0x0] =	vst.idx.add.f32.msk $0xffff, v51  }
.Ltmp1:
0xc1: {  	[tilespmem:v30+s20+$0x0] =	vst.idx.add.f32.msk $0xffff, v52;
	(pc) =	sbr.rel @p0 .LBB2_4-.Ltmp1, $4  }
0xc2: {  	[tilespmem:v31+s20+$0x0] =	vst.idx.add.f32.msk $0xffff, v53  }
0xc3: {  	[tilespmem:v32+s20+$0x0] =	vst.idx.add.f32.msk $0xffff, v54  }
0xc4: {  	[tilespmem:v33+s20+$0x0] =	vst.idx.add.f32.msk $0xffff, v55  }
0xc5: {  	s30 =	sadd.s32 $0x190, s30;
	[tilespmem:v34+s20+$0x0] =	vst.idx.add.f32.msk $0xffff, v56  }
0xc6: {  	s26 =	simm.s32 $0x0  }
0xc7: {  	[tilespmem:s26], [sflag:$0x1] =	stream.linear.gather [hbm4b:s7+s26], $0x2710, $0x38;
	[tilespmem:$0xE280] =	vst v63  }
0xc8: {  	_ = 	snop  }
0xc9: {  	[tilespmem:s15], [sflag:$0x2] =	stream.linear.gather [hbm4b:s8+s26], $0x2710, $0x38;
	[tilespmem:$0xE280] =	vst v63  }
0xca: {  	_ =	swait.ge [sflag:s18], $0x2710  }
0xcb: {  	[sflag:s18] =	ssyncset.done $0x0  }
0xcc: {  	[sflag:s18] =	ssyncadd.s32 $0xFFFFD8F0  }
0xcd: {  	_ =	swait.ge [sflag:s19], $0x2710  }
0xce: {  	[sflag:s19] =	ssyncset.done $0x0  }
0xcf: {  	s0 =	simm.s32 $0x2840;
	[sflag:s19] =	ssyncadd.s32 $0xFFFFD8F0  }
0xd0: {  	s28 =	simm.s32 $0x7740;
	v0 =	vld [tilespmem:s0+$0xB0]  }
0xd1: {  	s29 =	sand.u32 $0x3FF0, s26;
	v1 =	vld [tilespmem:s28+$0xB0]  }
0xd2: {  	v3 =	vld [tilespmem:s29+$0x7800]  }
0xd3: {  	v18 =	vld [tilespmem:s29+$0x7700]  }
0xd4: {  	v19 =	vld [tilespmem:s29+$0x7780]  }
0xd5: {  	v20 =	vld [tilespmem:s29+$0x2800]  }
0xd6: {  	v21 =	vld [tilespmem:s29+$0x2880]  }
0xd7: {  	v22 =	vld [tilespmem:s29+$0x2900]  }
0xd8: {  	v23 =	vld [tilespmem:s28+$0xFFFFFF50]  }
0xd9: {  	v24 =	vld [tilespmem:s28+$0xFFFFFF60]  }
0xda: {  	v25 =	vld [tilespmem:s28+$0xFFFFFF70]  }
0xdb: {  	v60 =	vld [tilespmem:s28+$0xFFFFFFE0]  }
0xdc: {  	v61 =	vld [tilespmem:s28+$0xFFFFFFF0]  }
0xdd: {  	v62 =	vld [tilespmem:s28+$0x0]  }
0xde: {  	v26 =	vld [tilespmem:s28+$0x10]  }
0xdf: {  	v27 =	vld [tilespmem:s28+$0x20]  }
0xe0: {  	v28 =	vld [tilespmem:s28+$0x30]  }
0xe1: {  	v29 =	vld [tilespmem:s28+$0x50]  }
0xe2: {  	v30 =	vld [tilespmem:s28+$0x60]  }
0xe3: {  	v31 =	vld [tilespmem:s28+$0x70]  }
0xe4: {  	v32 =	vld [tilespmem:s28+$0x80]  }
0xe5: {  	v33 =	vld [tilespmem:s28+$0x90]  }
0xe6: {  	v34 =	vld [tilespmem:s28+$0xA0]  }
0xe7: {  	v35 =	vld [tilespmem:s28+$0xFFFFFF40]  }
0xe8: {  	v36 =	vld [tilespmem:s0+$0xFFFFFF40]  }
0xe9: {  	v37 =	vld [tilespmem:s0+$0xFFFFFF50]  }
0xea: {  	v38 =	vld [tilespmem:s0+$0xFFFFFF60]  }
0xeb: {  	v39 =	vld [tilespmem:s0+$0xFFFFFF70]  }
0xec: {  	v40 =	vld [tilespmem:s0+$0xFFFFFF80]  }
0xed: {  	v41 =	vld [tilespmem:s0+$0xFFFFFF90]  }
0xee: {  	v42 =	vld [tilespmem:s0+$0xFFFFFFA0]  }
0xef: {  	v43 =	vld [tilespmem:s0+$0xFFFFFFB0]  }
0xf0: {  	v44 =	vld [tilespmem:s0+$0xFFFFFFD0]  }
0xf1: {  	v45 =	vld [tilespmem:s0+$0xFFFFFFE0]  }
0xf2: {  	v46 =	vld [tilespmem:s0+$0xFFFFFFF0]  }
0xf3: {  	v47 =	vld [tilespmem:s0+$0x0]  }
0xf4: {  	v48 =	vld [tilespmem:s0+$0x10]  }
0xf5: {  	v49 =	vld [tilespmem:s0+$0x20]  }
0xf6: {  	v50 =	vld [tilespmem:s0+$0x30]  }
0xf7: {  	v51 =	vld [tilespmem:s0+$0x50]  }
0xf8: {  	v52 =	vld [tilespmem:s0+$0x60];
	v1 =	vadd.s32 v2, v1  }
0xf9: {  	v53 =	vld [tilespmem:s0+$0x70];
	v3 =	vadd.s32 v2, v3  }
0xfa: {  	v54 =	vld [tilespmem:s0+$0x80];
	v18 =	vadd.s32 v2, v18  }
0xfb: {  	v55 =	vld [tilespmem:s0+$0x90];
	v19 =	vadd.s32 v2, v19  }
0xfc: {  	v56 =	vld [tilespmem:s0+$0xA0]  }
0xfd: {  	[tilespmem:v1+s20+$0x0] =	vst.idx.add.f32.msk $0xffff, v0  }
0xfe: {  	[tilespmem:v3+s20+$0x0] =	vst.idx.add.f32.msk $0xffff, v22  }
0xff: {  	[tilespmem:v18+s20+$0x0] =	vst.idx.add.f32.msk $0xffff, v20  }
0x100: {  	[tilespmem:v19+s20+$0x0] =	vst.idx.add.f32.msk $0xffff, v21  }
0x101: {  	v35 =	vadd.s32 v2, v35;
	v0 =	vld [tilespmem:s28+$0xFFFFFF80]  }
0x102: {  	v23 =	vadd.s32 v2, v23;
	v1 =	vld [tilespmem:s28+$0xFFFFFF90]  }
0x103: {  	v24 =	vadd.s32 v2, v24;
	v3 =	vld [tilespmem:s28+$0xFFFFFFA0]  }
0x104: {  	v25 =	vadd.s32 v2, v25;
	v18 =	vld [tilespmem:s28+$0xFFFFFFB0]  }
0x105: {  	v63 =	vadd.s32 v2, v29;
	v19 =	vld [tilespmem:s28+$0xFFFFFFD0]  }
0x106: {  	[tilespmem:v35+s20+$0x0] =	vst.idx.add.f32.msk $0xffff, v36;
	v20 =	vadd.s32 v2, v60  }
0x107: {  	[tilespmem:v23+s20+$0x0] =	vst.idx.add.f32.msk $0xffff, v37;
	v0 =	vadd.s32 v2, v0  }
0x108: {  	[tilespmem:v24+s20+$0x0] =	vst.idx.add.f32.msk $0xffff, v38;
	v1 =	vadd.s32 v2, v1  }
0x109: {  	[tilespmem:v25+s20+$0x0] =	vst.idx.add.f32.msk $0xffff, v39;
	v3 =	vadd.s32 v2, v3  }
0x10a: {  	[tilespmem:v63+s20+$0x0] =	vst.idx.add.f32.msk $0xffff, v51;
	v18 =	vadd.s32 v2, v18  }
0x10b: {  	v19 =	vadd.s32 v2, v19;
	[tilespmem:v20+s20+$0x0] =	vst.idx.add.f32.msk $0xffff, v45  }
0x10c: {  	[tilespmem:v0+s20+$0x0] =	vst.idx.add.f32.msk $0xffff, v40;
	v0 =	vadd.s32 v2, v61  }
0x10d: {  	[tilespmem:v1+s20+$0x0] =	vst.idx.add.f32.msk $0xffff, v41;
	v1 =	vadd.s32 v2, v62  }
0x10e: {  	[tilespmem:v3+s20+$0x0] =	vst.idx.add.f32.msk $0xffff, v42;
	v3 =	vadd.s32 v2, v26  }
0x10f: {  	[tilespmem:v18+s20+$0x0] =	vst.idx.add.f32.msk $0xffff, v43;
	v18 =	vadd.s32 v2, v27  }
0x110: {  	[tilespmem:v19+s20+$0x0] =	vst.idx.add.f32.msk $0xffff, v44;
	v19 =	vadd.s32 v2, v28  }
0x111: {  	[tilespmem:v0+s20+$0x0] =	vst.idx.add.f32.msk $0xffff, v46;
	v0 =	vadd.s32 v2, v30  }
0x112: {  	[tilespmem:v1+s20+$0x0] =	vst.idx.add.f32.msk $0xffff, v47;
	v1 =	vadd.s32 v2, v31  }
0x113: {  	[tilespmem:v3+s20+$0x0] =	vst.idx.add.f32.msk $0xffff, v48;
	v3 =	vadd.s32 v2, v32  }
0x114: {  	[tilespmem:v18+s20+$0x0] =	vst.idx.add.f32.msk $0xffff, v49;
	v18 =	vadd.s32 v2, v33  }
0x115: {  	[tilespmem:v19+s20+$0x0] =	vst.idx.add.f32.msk $0xffff, v50;
	v19 =	vadd.s32 v2, v34  }
0x116: {  	[tilespmem:v0+s20+$0x0] =	vst.idx.add.f32.msk $0xffff, v52  }
0x117: {  	[tilespmem:v1+s20+$0x0] =	vst.idx.add.f32.msk $0xffff, v53  }
0x118: {  	[tilespmem:v3+s20+$0x0] =	vst.idx.add.f32.msk $0xffff, v54  }
0x119: {  	[tilespmem:v18+s20+$0x0] =	vst.idx.add.f32.msk $0xffff, v55  }
0x11a: {  	s30 =	simm.s32 $0x29D0;
	s29 =	simm.s32 $0x0;
	[tilespmem:v19+s20+$0x0] =	vst.idx.add.f32.msk $0xffff, v56  }
.LBB2_6:
0x11b: {  	v0 =	vld [tilespmem:s30+$0xB0];
	s26 =	sadd.s32 $0x190, s26;
	s28 =	sadd.s32 $0x190, s28  }
0x11c: {  	s29 =	sadd.s32 $0x19, s29;
	s0 =	sand.u32 $0x3FF0, s26;
	v1 =	vld [tilespmem:s28+$0xB0]  }
0x11d: {  	p0 =	slt.u32 s29, $0x258;
	v3 =	vld [tilespmem:s0+$0x7800]  }
0x11e: {  	v18 =	vld [tilespmem:s0+$0x7700]  }
0x11f: {  	v19 =	vld [tilespmem:s0+$0x7780]  }
0x120: {  	v20 =	vld [tilespmem:s0+$0x2800]  }
0x121: {  	v21 =	vld [tilespmem:s0+$0x2880];
	v1 =	vadd.s32 v2, v1  }
0x122: {  	v22 =	vld [tilespmem:s0+$0x2900];
	v3 =	vadd.s32 v2, v3  }
0x123: {  	v23 =	vld [tilespmem:s28+$0xFFFFFF50];
	v18 =	vadd.s32 v2, v18  }
0x124: {  	v24 =	vld [tilespmem:s28+$0xFFFFFF60];
	v19 =	vadd.s32 v2, v19  }
0x125: {  	v25 =	vld [tilespmem:s28+$0xFFFFFF70]  }
0x126: {  	[tilespmem:v1+s20+$0x0] =	vst.idx.add.f32.msk $0xffff, v0  }
0x127: {  	[tilespmem:v3+s20+$0x0] =	vst.idx.add.f32.msk $0xffff, v22  }
0x128: {  	v0 =	vadd.s32 v2, v23;
	[tilespmem:v18+s20+$0x0] =	vst.idx.add.f32.msk $0xffff, v20  }
0x129: {  	v1 =	vadd.s32 v2, v24;
	[tilespmem:v19+s20+$0x0] =	vst.idx.add.f32.msk $0xffff, v21  }
0x12a: {  	v3 =	vadd.s32 v2, v25;
	v18 =	vld [tilespmem:s28+$0xFFFFFF80]  }
0x12b: {  	v19 =	vld [tilespmem:s28+$0xFFFFFF90]  }
0x12c: {  	v20 =	vld [tilespmem:s28+$0xFFFFFFA0]  }
0x12d: {  	v21 =	vld [tilespmem:s28+$0xFFFFFFB0]  }
0x12e: {  	v22 =	vld [tilespmem:s28+$0xFFFFFFD0]  }
0x12f: {  	v18 =	vadd.s32 v2, v18;
	v23 =	vld [tilespmem:s28+$0xFFFFFFE0]  }
0x130: {  	v19 =	vadd.s32 v2, v19;
	v24 =	vld [tilespmem:s28+$0xFFFFFFF0]  }
0x131: {  	v20 =	vadd.s32 v2, v20;
	v25 =	vld [tilespmem:s28+$0x0]  }
0x132: {  	v21 =	vadd.s32 v2, v21;
	v26 =	vld [tilespmem:s28+$0x10]  }
0x133: {  	v22 =	vadd.s32 v2, v22;
	v27 =	vld [tilespmem:s28+$0x20]  }
0x134: {  	v23 =	vadd.s32 v2, v23;
	v28 =	vld [tilespmem:s28+$0x30]  }
0x135: {  	v24 =	vadd.s32 v2, v24;
	v29 =	vld [tilespmem:s28+$0x50]  }
0x136: {  	v25 =	vadd.s32 v2, v25;
	v30 =	vld [tilespmem:s28+$0x60]  }
0x137: {  	v26 =	vadd.s32 v2, v26;
	v31 =	vld [tilespmem:s28+$0x70]  }
0x138: {  	v27 =	vadd.s32 v2, v27;
	v32 =	vld [tilespmem:s28+$0x80]  }
0x139: {  	v28 =	vadd.s32 v2, v28;
	v33 =	vld [tilespmem:s28+$0x90]  }
0x13a: {  	v29 =	vadd.s32 v2, v29;
	v34 =	vld [tilespmem:s28+$0xA0]  }
0x13b: {  	v35 =	vld [tilespmem:s28+$0xFFFFFF40];
	v30 =	vadd.s32 v2, v30  }
0x13c: {  	v36 =	vld [tilespmem:s30+$0xFFFFFF40];
	v31 =	vadd.s32 v2, v31  }
0x13d: {  	v37 =	vld [tilespmem:s30+$0xFFFFFF50];
	v32 =	vadd.s32 v2, v32  }
0x13e: {  	v38 =	vld [tilespmem:s30+$0xFFFFFF60];
	v33 =	vadd.s32 v2, v33  }
0x13f: {  	v39 =	vld [tilespmem:s30+$0xFFFFFF70];
	v34 =	vadd.s32 v2, v34  }
0x140: {  	v35 =	vadd.s32 v2, v35;
	v40 =	vld [tilespmem:s30+$0xFFFFFF80]  }
0x141: {  	v41 =	vld [tilespmem:s30+$0xFFFFFF90]  }
0x142: {  	v42 =	vld [tilespmem:s30+$0xFFFFFFA0]  }
0x143: {  	v43 =	vld [tilespmem:s30+$0xFFFFFFB0]  }
0x144: {  	v44 =	vld [tilespmem:s30+$0xFFFFFFD0]  }
0x145: {  	v45 =	vld [tilespmem:s30+$0xFFFFFFE0]  }
0x146: {  	v46 =	vld [tilespmem:s30+$0xFFFFFFF0]  }
0x147: {  	v47 =	vld [tilespmem:s30+$0x0]  }
0x148: {  	v48 =	vld [tilespmem:s30+$0x10]  }
0x149: {  	v49 =	vld [tilespmem:s30+$0x20]  }
0x14a: {  	v50 =	vld [tilespmem:s30+$0x30]  }
0x14b: {  	v51 =	vld [tilespmem:s30+$0x50]  }
0x14c: {  	v52 =	vld [tilespmem:s30+$0x60]  }
0x14d: {  	v53 =	vld [tilespmem:s30+$0x70]  }
0x14e: {  	v54 =	vld [tilespmem:s30+$0x80]  }
0x14f: {  	v55 =	vld [tilespmem:s30+$0x90]  }
0x150: {  	v56 =	vld [tilespmem:s30+$0xA0]  }
0x151: {  	[tilespmem:v35+s20+$0x0] =	vst.idx.add.f32.msk $0xffff, v36  }
0x152: {  	[tilespmem:v0+s20+$0x0] =	vst.idx.add.f32.msk $0xffff, v37  }
0x153: {  	[tilespmem:v1+s20+$0x0] =	vst.idx.add.f32.msk $0xffff, v38  }
0x154: {  	[tilespmem:v3+s20+$0x0] =	vst.idx.add.f32.msk $0xffff, v39  }
0x155: {  	[tilespmem:v18+s20+$0x0] =	vst.idx.add.f32.msk $0xffff, v40  }
0x156: {  	[tilespmem:v19+s20+$0x0] =	vst.idx.add.f32.msk $0xffff, v41  }
0x157: {  	[tilespmem:v20+s20+$0x0] =	vst.idx.add.f32.msk $0xffff, v42  }
0x158: {  	[tilespmem:v21+s20+$0x0] =	vst.idx.add.f32.msk $0xffff, v43  }
0x159: {  	[tilespmem:v22+s20+$0x0] =	vst.idx.add.f32.msk $0xffff, v44  }
0x15a: {  	[tilespmem:v23+s20+$0x0] =	vst.idx.add.f32.msk $0xffff, v45  }
0x15b: {  	[tilespmem:v24+s20+$0x0] =	vst.idx.add.f32.msk $0xffff, v46  }
0x15c: {  	[tilespmem:v25+s20+$0x0] =	vst.idx.add.f32.msk $0xffff, v47  }
0x15d: {  	[tilespmem:v26+s20+$0x0] =	vst.idx.add.f32.msk $0xffff, v48  }
0x15e: {  	[tilespmem:v27+s20+$0x0] =	vst.idx.add.f32.msk $0xffff, v49  }
0x15f: {  	[tilespmem:v28+s20+$0x0] =	vst.idx.add.f32.msk $0xffff, v50  }
0x160: {  	[tilespmem:v29+s20+$0x0] =	vst.idx.add.f32.msk $0xffff, v51  }
.Ltmp2:
0x161: {  	[tilespmem:v30+s20+$0x0] =	vst.idx.add.f32.msk $0xffff, v52;
	(pc) =	sbr.rel @p0 .LBB2_6-.Ltmp2, $4  }
0x162: {  	[tilespmem:v31+s20+$0x0] =	vst.idx.add.f32.msk $0xffff, v53  }
0x163: {  	[tilespmem:v32+s20+$0x0] =	vst.idx.add.f32.msk $0xffff, v54  }
0x164: {  	[tilespmem:v33+s20+$0x0] =	vst.idx.add.f32.msk $0xffff, v55  }
0x165: {  	s30 =	sadd.s32 $0x190, s30;
	[tilespmem:v34+s20+$0x0] =	vst.idx.add.f32.msk $0xffff, v56  }
0x166: {  	s26 =	simm.s32 $0x0  }
0x167: {  	[tilespmem:s16], [sflag:$0x1] =	stream.linear.gather [hbm4b:s9+s26], $0x2710, $0x38;
	[tilespmem:$0xE280] =	vst v63  }
0x168: {  	_ = 	snop  }
0x169: {  	[tilespmem:s17], [sflag:$0x2] =	stream.linear.gather [hbm4b:s10+s26], $0x2710, $0x38;
	[tilespmem:$0xE280] =	vst v63  }
0x16a: {  	_ =	swait.ge [sflag:s18], $0x2710  }
0x16b: {  	[sflag:s18] =	ssyncset.done $0x0  }
0x16c: {  	[sflag:s18] =	ssyncadd.s32 $0xFFFFD8F0  }
0x16d: {  	_ =	swait.ge [sflag:s19], $0x2710  }
0x16e: {  	[sflag:s19] =	ssyncset.done $0x0  }
0x16f: {  	s0 =	simm.s32 $0xC0;
	[sflag:s19] =	ssyncadd.s32 $0xFFFFD8F0  }
0x170: {  	s28 =	simm.s32 $0x4FC0;
	v0 =	vld [tilespmem:s0+$0xB0]  }
0x171: {  	s29 =	sand.u32 $0x3FF0, s26;
	v1 =	vld [tilespmem:s28+$0xB0]  }
0x172: {  	v3 =	vld [tilespmem:s29+$0x5080]  }
0x173: {  	v18 =	vld [tilespmem:s29+$0x4F80]  }
0x174: {  	v19 =	vld [tilespmem:s29+$0x5000]  }
0x175: {  	v20 =	vld [tilespmem:s29+$0x80]  }
0x176: {  	v21 =	vld [tilespmem:s29+$0x100]  }
0x177: {  	v22 =	vld [tilespmem:s29+$0x180]  }
0x178: {  	v23 =	vld [tilespmem:s28+$0xFFFFFF50]  }
0x179: {  	v24 =	vld [tilespmem:s28+$0xFFFFFF60]  }
0x17a: {  	v25 =	vld [tilespmem:s28+$0xFFFFFF70]  }
0x17b: {  	v60 =	vld [tilespmem:s28+$0xFFFFFFE0]  }
0x17c: {  	v61 =	vld [tilespmem:s28+$0xFFFFFFF0]  }
0x17d: {  	v62 =	vld [tilespmem:s28+$0x0]  }
0x17e: {  	v26 =	vld [tilespmem:s28+$0x10]  }
0x17f: {  	v27 =	vld [tilespmem:s28+$0x20]  }
0x180: {  	v28 =	vld [tilespmem:s28+$0x30]  }
0x181: {  	v29 =	vld [tilespmem:s28+$0x50]  }
0x182: {  	v30 =	vld [tilespmem:s28+$0x60]  }
0x183: {  	v31 =	vld [tilespmem:s28+$0x70]  }
0x184: {  	v32 =	vld [tilespmem:s28+$0x80]  }
0x185: {  	v33 =	vld [tilespmem:s28+$0x90]  }
0x186: {  	v34 =	vld [tilespmem:s28+$0xA0]  }
0x187: {  	v35 =	vld [tilespmem:s28+$0xFFFFFF40]  }
0x188: {  	v36 =	vld [tilespmem:s0+$0xFFFFFF40]  }
0x189: {  	v37 =	vld [tilespmem:s0+$0xFFFFFF50]  }
0x18a: {  	v38 =	vld [tilespmem:s0+$0xFFFFFF60]  }
0x18b: {  	v39 =	vld [tilespmem:s0+$0xFFFFFF70]  }
0x18c: {  	v40 =	vld [tilespmem:s0+$0xFFFFFF80]  }
0x18d: {  	v41 =	vld [tilespmem:s0+$0xFFFFFF90]  }
0x18e: {  	v42 =	vld [tilespmem:s0+$0xFFFFFFA0]  }
0x18f: {  	v43 =	vld [tilespmem:s0+$0xFFFFFFB0]  }
0x190: {  	v44 =	vld [tilespmem:s0+$0xFFFFFFD0]  }
0x191: {  	v45 =	vld [tilespmem:s0+$0xFFFFFFE0]  }
0x192: {  	v46 =	vld [tilespmem:s0+$0xFFFFFFF0]  }
0x193: {  	v47 =	vld [tilespmem:s0+$0x0]  }
0x194: {  	v48 =	vld [tilespmem:s0+$0x10]  }
0x195: {  	v49 =	vld [tilespmem:s0+$0x20]  }
0x196: {  	v50 =	vld [tilespmem:s0+$0x30]  }
0x197: {  	v51 =	vld [tilespmem:s0+$0x50]  }
0x198: {  	v52 =	vld [tilespmem:s0+$0x60];
	v1 =	vadd.s32 v2, v1  }
0x199: {  	v53 =	vld [tilespmem:s0+$0x70];
	v3 =	vadd.s32 v2, v3  }
0x19a: {  	v54 =	vld [tilespmem:s0+$0x80];
	v18 =	vadd.s32 v2, v18  }
0x19b: {  	v55 =	vld [tilespmem:s0+$0x90];
	v19 =	vadd.s32 v2, v19  }
0x19c: {  	v56 =	vld [tilespmem:s0+$0xA0]  }
0x19d: {  	[tilespmem:v1+s20+$0x0] =	vst.idx.add.f32.msk $0xffff, v0  }
0x19e: {  	[tilespmem:v3+s20+$0x0] =	vst.idx.add.f32.msk $0xffff, v22  }
0x19f: {  	[tilespmem:v18+s20+$0x0] =	vst.idx.add.f32.msk $0xffff, v20  }
0x1a0: {  	[tilespmem:v19+s20+$0x0] =	vst.idx.add.f32.msk $0xffff, v21  }
0x1a1: {  	v35 =	vadd.s32 v2, v35;
	v0 =	vld [tilespmem:s28+$0xFFFFFF80]  }
0x1a2: {  	v23 =	vadd.s32 v2, v23;
	v1 =	vld [tilespmem:s28+$0xFFFFFF90]  }
0x1a3: {  	v24 =	vadd.s32 v2, v24;
	v3 =	vld [tilespmem:s28+$0xFFFFFFA0]  }
0x1a4: {  	v25 =	vadd.s32 v2, v25;
	v18 =	vld [tilespmem:s28+$0xFFFFFFB0]  }
0x1a5: {  	v63 =	vadd.s32 v2, v29;
	v19 =	vld [tilespmem:s28+$0xFFFFFFD0]  }
0x1a6: {  	[tilespmem:v35+s20+$0x0] =	vst.idx.add.f32.msk $0xffff, v36;
	v20 =	vadd.s32 v2, v60  }
0x1a7: {  	[tilespmem:v23+s20+$0x0] =	vst.idx.add.f32.msk $0xffff, v37;
	v0 =	vadd.s32 v2, v0  }
0x1a8: {  	[tilespmem:v24+s20+$0x0] =	vst.idx.add.f32.msk $0xffff, v38;
	v1 =	vadd.s32 v2, v1  }
0x1a9: {  	[tilespmem:v25+s20+$0x0] =	vst.idx.add.f32.msk $0xffff, v39;
	v3 =	vadd.s32 v2, v3  }
0x1aa: {  	[tilespmem:v63+s20+$0x0] =	vst.idx.add.f32.msk $0xffff, v51;
	v18 =	vadd.s32 v2, v18  }
0x1ab: {  	v19 =	vadd.s32 v2, v19;
	[tilespmem:v20+s20+$0x0] =	vst.idx.add.f32.msk $0xffff, v45  }
0x1ac: {  	[tilespmem:v0+s20+$0x0] =	vst.idx.add.f32.msk $0xffff, v40;
	v0 =	vadd.s32 v2, v61  }
0x1ad: {  	[tilespmem:v1+s20+$0x0] =	vst.idx.add.f32.msk $0xffff, v41;
	v1 =	vadd.s32 v2, v62  }
0x1ae: {  	[tilespmem:v3+s20+$0x0] =	vst.idx.add.f32.msk $0xffff, v42;
	v3 =	vadd.s32 v2, v26  }
0x1af: {  	[tilespmem:v18+s20+$0x0] =	vst.idx.add.f32.msk $0xffff, v43;
	v18 =	vadd.s32 v2, v27  }
0x1b0: {  	[tilespmem:v19+s20+$0x0] =	vst.idx.add.f32.msk $0xffff, v44;
	v19 =	vadd.s32 v2, v28  }
0x1b1: {  	[tilespmem:v0+s20+$0x0] =	vst.idx.add.f32.msk $0xffff, v46;
	v0 =	vadd.s32 v2, v30  }
0x1b2: {  	[tilespmem:v1+s20+$0x0] =	vst.idx.add.f32.msk $0xffff, v47;
	v1 =	vadd.s32 v2, v31  }
0x1b3: {  	[tilespmem:v3+s20+$0x0] =	vst.idx.add.f32.msk $0xffff, v48;
	v3 =	vadd.s32 v2, v32  }
0x1b4: {  	[tilespmem:v18+s20+$0x0] =	vst.idx.add.f32.msk $0xffff, v49;
	v18 =	vadd.s32 v2, v33  }
0x1b5: {  	[tilespmem:v19+s20+$0x0] =	vst.idx.add.f32.msk $0xffff, v50;
	v19 =	vadd.s32 v2, v34  }
0x1b6: {  	[tilespmem:v0+s20+$0x0] =	vst.idx.add.f32.msk $0xffff, v52  }
0x1b7: {  	[tilespmem:v1+s20+$0x0] =	vst.idx.add.f32.msk $0xffff, v53  }
0x1b8: {  	[tilespmem:v3+s20+$0x0] =	vst.idx.add.f32.msk $0xffff, v54  }
0x1b9: {  	[tilespmem:v18+s20+$0x0] =	vst.idx.add.f32.msk $0xffff, v55  }
0x1ba: {  	s30 =	simm.s32 $0x250;
	s29 =	simm.s32 $0x0;
	[tilespmem:v19+s20+$0x0] =	vst.idx.add.f32.msk $0xffff, v56  }
.LBB2_8:
0x1bb: {  	v0 =	vld [tilespmem:s30+$0xB0];
	s26 =	sadd.s32 $0x190, s26;
	s28 =	sadd.s32 $0x190, s28  }
0x1bc: {  	s29 =	sadd.s32 $0x19, s29;
	s0 =	sand.u32 $0x3FF0, s26;
	v1 =	vld [tilespmem:s28+$0xB0]  }
0x1bd: {  	p0 =	slt.u32 s29, $0x258;
	v3 =	vld [tilespmem:s0+$0x5080]  }
0x1be: {  	v18 =	vld [tilespmem:s0+$0x4F80]  }
0x1bf: {  	v19 =	vld [tilespmem:s0+$0x5000]  }
0x1c0: {  	v20 =	vld [tilespmem:s0+$0x80]  }
0x1c1: {  	v21 =	vld [tilespmem:s0+$0x100];
	v1 =	vadd.s32 v2, v1  }
0x1c2: {  	v22 =	vld [tilespmem:s0+$0x180];
	v3 =	vadd.s32 v2, v3  }
0x1c3: {  	v23 =	vld [tilespmem:s28+$0xFFFFFF50];
	v18 =	vadd.s32 v2, v18  }
0x1c4: {  	v24 =	vld [tilespmem:s28+$0xFFFFFF60];
	v19 =	vadd.s32 v2, v19  }
0x1c5: {  	v25 =	vld [tilespmem:s28+$0xFFFFFF70]  }
0x1c6: {  	[tilespmem:v1+s20+$0x0] =	vst.idx.add.f32.msk $0xffff, v0  }
0x1c7: {  	[tilespmem:v3+s20+$0x0] =	vst.idx.add.f32.msk $0xffff, v22  }
0x1c8: {  	v0 =	vadd.s32 v2, v23;
	[tilespmem:v18+s20+$0x0] =	vst.idx.add.f32.msk $0xffff, v20  }
0x1c9: {  	v1 =	vadd.s32 v2, v24;
	[tilespmem:v19+s20+$0x0] =	vst.idx.add.f32.msk $0xffff, v21  }
0x1ca: {  	v3 =	vadd.s32 v2, v25;
	v18 =	vld [tilespmem:s28+$0xFFFFFF80]  }
0x1cb: {  	v19 =	vld [tilespmem:s28+$0xFFFFFF90]  }
0x1cc: {  	v20 =	vld [tilespmem:s28+$0xFFFFFFA0]  }
0x1cd: {  	v21 =	vld [tilespmem:s28+$0xFFFFFFB0]  }
0x1ce: {  	v22 =	vld [tilespmem:s28+$0xFFFFFFD0]  }
0x1cf: {  	v18 =	vadd.s32 v2, v18;
	v23 =	vld [tilespmem:s28+$0xFFFFFFE0]  }
0x1d0: {  	v19 =	vadd.s32 v2, v19;
	v24 =	vld [tilespmem:s28+$0xFFFFFFF0]  }
0x1d1: {  	v20 =	vadd.s32 v2, v20;
	v25 =	vld [tilespmem:s28+$0x0]  }
0x1d2: {  	v21 =	vadd.s32 v2, v21;
	v26 =	vld [tilespmem:s28+$0x10]  }
0x1d3: {  	v22 =	vadd.s32 v2, v22;
	v27 =	vld [tilespmem:s28+$0x20]  }
0x1d4: {  	v23 =	vadd.s32 v2, v23;
	v28 =	vld [tilespmem:s28+$0x30]  }
0x1d5: {  	v24 =	vadd.s32 v2, v24;
	v29 =	vld [tilespmem:s28+$0x50]  }
0x1d6: {  	v25 =	vadd.s32 v2, v25;
	v30 =	vld [tilespmem:s28+$0x60]  }
0x1d7: {  	v26 =	vadd.s32 v2, v26;
	v31 =	vld [tilespmem:s28+$0x70]  }
0x1d8: {  	v27 =	vadd.s32 v2, v27;
	v32 =	vld [tilespmem:s28+$0x80]  }
0x1d9: {  	v28 =	vadd.s32 v2, v28;
	v33 =	vld [tilespmem:s28+$0x90]  }
0x1da: {  	v29 =	vadd.s32 v2, v29;
	v34 =	vld [tilespmem:s28+$0xA0]  }
0x1db: {  	v35 =	vld [tilespmem:s28+$0xFFFFFF40];
	v30 =	vadd.s32 v2, v30  }
0x1dc: {  	v36 =	vld [tilespmem:s30+$0xFFFFFF40];
	v31 =	vadd.s32 v2, v31  }
0x1dd: {  	v37 =	vld [tilespmem:s30+$0xFFFFFF50];
	v32 =	vadd.s32 v2, v32  }
0x1de: {  	v38 =	vld [tilespmem:s30+$0xFFFFFF60];
	v33 =	vadd.s32 v2, v33  }
0x1df: {  	v39 =	vld [tilespmem:s30+$0xFFFFFF70];
	v34 =	vadd.s32 v2, v34  }
0x1e0: {  	v35 =	vadd.s32 v2, v35;
	v40 =	vld [tilespmem:s30+$0xFFFFFF80]  }
0x1e1: {  	v41 =	vld [tilespmem:s30+$0xFFFFFF90]  }
0x1e2: {  	v42 =	vld [tilespmem:s30+$0xFFFFFFA0]  }
0x1e3: {  	v43 =	vld [tilespmem:s30+$0xFFFFFFB0]  }
0x1e4: {  	v44 =	vld [tilespmem:s30+$0xFFFFFFD0]  }
0x1e5: {  	v45 =	vld [tilespmem:s30+$0xFFFFFFE0]  }
0x1e6: {  	v46 =	vld [tilespmem:s30+$0xFFFFFFF0]  }
0x1e7: {  	v47 =	vld [tilespmem:s30+$0x0]  }
0x1e8: {  	v48 =	vld [tilespmem:s30+$0x10]  }
0x1e9: {  	v49 =	vld [tilespmem:s30+$0x20]  }
0x1ea: {  	v50 =	vld [tilespmem:s30+$0x30]  }
0x1eb: {  	v51 =	vld [tilespmem:s30+$0x50]  }
0x1ec: {  	v52 =	vld [tilespmem:s30+$0x60]  }
0x1ed: {  	v53 =	vld [tilespmem:s30+$0x70]  }
0x1ee: {  	v54 =	vld [tilespmem:s30+$0x80]  }
0x1ef: {  	v55 =	vld [tilespmem:s30+$0x90]  }
0x1f0: {  	v56 =	vld [tilespmem:s30+$0xA0]  }
0x1f1: {  	[tilespmem:v35+s20+$0x0] =	vst.idx.add.f32.msk $0xffff, v36  }
0x1f2: {  	[tilespmem:v0+s20+$0x0] =	vst.idx.add.f32.msk $0xffff, v37  }
0x1f3: {  	[tilespmem:v1+s20+$0x0] =	vst.idx.add.f32.msk $0xffff, v38  }
0x1f4: {  	[tilespmem:v3+s20+$0x0] =	vst.idx.add.f32.msk $0xffff, v39  }
0x1f5: {  	[tilespmem:v18+s20+$0x0] =	vst.idx.add.f32.msk $0xffff, v40  }
0x1f6: {  	[tilespmem:v19+s20+$0x0] =	vst.idx.add.f32.msk $0xffff, v41  }
0x1f7: {  	[tilespmem:v20+s20+$0x0] =	vst.idx.add.f32.msk $0xffff, v42  }
0x1f8: {  	[tilespmem:v21+s20+$0x0] =	vst.idx.add.f32.msk $0xffff, v43  }
0x1f9: {  	[tilespmem:v22+s20+$0x0] =	vst.idx.add.f32.msk $0xffff, v44  }
0x1fa: {  	[tilespmem:v23+s20+$0x0] =	vst.idx.add.f32.msk $0xffff, v45  }
0x1fb: {  	[tilespmem:v24+s20+$0x0] =	vst.idx.add.f32.msk $0xffff, v46  }
0x1fc: {  	[tilespmem:v25+s20+$0x0] =	vst.idx.add.f32.msk $0xffff, v47  }
0x1fd: {  	[tilespmem:v26+s20+$0x0] =	vst.idx.add.f32.msk $0xffff, v48  }
0x1fe: {  	[tilespmem:v27+s20+$0x0] =	vst.idx.add.f32.msk $0xffff, v49  }
0x1ff: {  	[tilespmem:v28+s20+$0x0] =	vst.idx.add.f32.msk $0xffff, v50  }
0x200: {  	[tilespmem:v29+s20+$0x0] =	vst.idx.add.f32.msk $0xffff, v51  }
.Ltmp3:
0x201: {  	[tilespmem:v30+s20+$0x0] =	vst.idx.add.f32.msk $0xffff, v52;
	(pc) =	sbr.rel @p0 .LBB2_8-.Ltmp3, $4  }
0x202: {  	[tilespmem:v31+s20+$0x0] =	vst.idx.add.f32.msk $0xffff, v53  }
0x203: {  	[tilespmem:v32+s20+$0x0] =	vst.idx.add.f32.msk $0xffff, v54  }
0x204: {  	[tilespmem:v33+s20+$0x0] =	vst.idx.add.f32.msk $0xffff, v55  }
0x205: {  	s30 =	sadd.s32 $0x190, s30;
	[tilespmem:v34+s20+$0x0] =	vst.idx.add.f32.msk $0xffff, v56  }
0x206: {  	s26 =	simm.s32 $0x0  }
0x207: {  	[tilespmem:s26], [sflag:$0x1] =	stream.linear.gather [hbm4b:s11+s26], $0x2710, $0x38;
	[tilespmem:$0xE280] =	vst v63  }
0x208: {  	_ = 	snop  }
0x209: {  	[tilespmem:s15], [sflag:$0x2] =	stream.linear.gather [hbm4b:s12+s26], $0x2710, $0x38;
	[tilespmem:$0xE280] =	vst v63  }
0x20a: {  	_ =	swait.ge [sflag:s18], $0x2710  }
0x20b: {  	[sflag:s18] =	ssyncset.done $0x0  }
0x20c: {  	[sflag:s18] =	ssyncadd.s32 $0xFFFFD8F0  }
0x20d: {  	_ =	swait.ge [sflag:s19], $0x2710  }
0x20e: {  	[sflag:s19] =	ssyncset.done $0x0  }
0x20f: {  	s0 =	simm.s32 $0x2840;
	[sflag:s19] =	ssyncadd.s32 $0xFFFFD8F0  }
0x210: {  	s28 =	simm.s32 $0x7740;
	v0 =	vld [tilespmem:s0+$0xB0]  }
0x211: {  	s29 =	sand.u32 $0x3FF0, s26;
	v1 =	vld [tilespmem:s28+$0xB0]  }
0x212: {  	v3 =	vld [tilespmem:s29+$0x7800]  }
0x213: {  	v18 =	vld [tilespmem:s29+$0x7700]  }
0x214: {  	v19 =	vld [tilespmem:s29+$0x7780]  }
0x215: {  	v20 =	vld [tilespmem:s29+$0x2800]  }
0x216: {  	v21 =	vld [tilespmem:s29+$0x2880]  }
0x217: {  	v22 =	vld [tilespmem:s29+$0x2900]  }
0x218: {  	v23 =	vld [tilespmem:s28+$0xFFFFFF50]  }
0x219: {  	v24 =	vld [tilespmem:s28+$0xFFFFFF60]  }
0x21a: {  	v25 =	vld [tilespmem:s28+$0xFFFFFF70]  }
0x21b: {  	v60 =	vld [tilespmem:s28+$0xFFFFFFE0]  }
0x21c: {  	v61 =	vld [tilespmem:s28+$0xFFFFFFF0]  }
0x21d: {  	v62 =	vld [tilespmem:s28+$0x0]  }
0x21e: {  	v26 =	vld [tilespmem:s28+$0x10]  }
0x21f: {  	v27 =	vld [tilespmem:s28+$0x20]  }
0x220: {  	v28 =	vld [tilespmem:s28+$0x30]  }
0x221: {  	v29 =	vld [tilespmem:s28+$0x50]  }
0x222: {  	v30 =	vld [tilespmem:s28+$0x60]  }
0x223: {  	v31 =	vld [tilespmem:s28+$0x70]  }
0x224: {  	v32 =	vld [tilespmem:s28+$0x80]  }
0x225: {  	v33 =	vld [tilespmem:s28+$0x90]  }
0x226: {  	v34 =	vld [tilespmem:s28+$0xA0]  }
0x227: {  	v35 =	vld [tilespmem:s28+$0xFFFFFF40]  }
0x228: {  	v36 =	vld [tilespmem:s0+$0xFFFFFF40]  }
0x229: {  	v37 =	vld [tilespmem:s0+$0xFFFFFF50]  }
0x22a: {  	v38 =	vld [tilespmem:s0+$0xFFFFFF60]  }
0x22b: {  	v39 =	vld [tilespmem:s0+$0xFFFFFF70]  }
0x22c: {  	v40 =	vld [tilespmem:s0+$0xFFFFFF80]  }
0x22d: {  	v41 =	vld [tilespmem:s0+$0xFFFFFF90]  }
0x22e: {  	v42 =	vld [tilespmem:s0+$0xFFFFFFA0]  }
0x22f: {  	v43 =	vld [tilespmem:s0+$0xFFFFFFB0]  }
0x230: {  	v44 =	vld [tilespmem:s0+$0xFFFFFFD0]  }
0x231: {  	v45 =	vld [tilespmem:s0+$0xFFFFFFE0]  }
0x232: {  	v46 =	vld [tilespmem:s0+$0xFFFFFFF0]  }
0x233: {  	v47 =	vld [tilespmem:s0+$0x0]  }
0x234: {  	v48 =	vld [tilespmem:s0+$0x10]  }
0x235: {  	v49 =	vld [tilespmem:s0+$0x20]  }
0x236: {  	v50 =	vld [tilespmem:s0+$0x30]  }
0x237: {  	v51 =	vld [tilespmem:s0+$0x50]  }
0x238: {  	v52 =	vld [tilespmem:s0+$0x60];
	v1 =	vadd.s32 v2, v1  }
0x239: {  	v53 =	vld [tilespmem:s0+$0x70];
	v3 =	vadd.s32 v2, v3  }
0x23a: {  	v54 =	vld [tilespmem:s0+$0x80];
	v18 =	vadd.s32 v2, v18  }
0x23b: {  	v55 =	vld [tilespmem:s0+$0x90];
	v19 =	vadd.s32 v2, v19  }
0x23c: {  	v56 =	vld [tilespmem:s0+$0xA0]  }
0x23d: {  	[tilespmem:v1+s20+$0x0] =	vst.idx.add.f32.msk $0xffff, v0  }
0x23e: {  	[tilespmem:v3+s20+$0x0] =	vst.idx.add.f32.msk $0xffff, v22  }
0x23f: {  	[tilespmem:v18+s20+$0x0] =	vst.idx.add.f32.msk $0xffff, v20  }
0x240: {  	[tilespmem:v19+s20+$0x0] =	vst.idx.add.f32.msk $0xffff, v21  }
0x241: {  	v35 =	vadd.s32 v2, v35;
	v0 =	vld [tilespmem:s28+$0xFFFFFF80]  }
0x242: {  	v23 =	vadd.s32 v2, v23;
	v1 =	vld [tilespmem:s28+$0xFFFFFF90]  }
0x243: {  	v24 =	vadd.s32 v2, v24;
	v3 =	vld [tilespmem:s28+$0xFFFFFFA0]  }
0x244: {  	v25 =	vadd.s32 v2, v25;
	v18 =	vld [tilespmem:s28+$0xFFFFFFB0]  }
0x245: {  	v63 =	vadd.s32 v2, v29;
	v19 =	vld [tilespmem:s28+$0xFFFFFFD0]  }
0x246: {  	[tilespmem:v35+s20+$0x0] =	vst.idx.add.f32.msk $0xffff, v36;
	v20 =	vadd.s32 v2, v60  }
0x247: {  	[tilespmem:v23+s20+$0x0] =	vst.idx.add.f32.msk $0xffff, v37;
	v0 =	vadd.s32 v2, v0  }
0x248: {  	[tilespmem:v24+s20+$0x0] =	vst.idx.add.f32.msk $0xffff, v38;
	v1 =	vadd.s32 v2, v1  }
0x249: {  	[tilespmem:v25+s20+$0x0] =	vst.idx.add.f32.msk $0xffff, v39;
	v3 =	vadd.s32 v2, v3  }
0x24a: {  	[tilespmem:v63+s20+$0x0] =	vst.idx.add.f32.msk $0xffff, v51;
	v18 =	vadd.s32 v2, v18  }
0x24b: {  	v19 =	vadd.s32 v2, v19;
	[tilespmem:v20+s20+$0x0] =	vst.idx.add.f32.msk $0xffff, v45  }
0x24c: {  	[tilespmem:v0+s20+$0x0] =	vst.idx.add.f32.msk $0xffff, v40;
	v0 =	vadd.s32 v2, v61  }
0x24d: {  	[tilespmem:v1+s20+$0x0] =	vst.idx.add.f32.msk $0xffff, v41;
	v1 =	vadd.s32 v2, v62  }
0x24e: {  	[tilespmem:v3+s20+$0x0] =	vst.idx.add.f32.msk $0xffff, v42;
	v3 =	vadd.s32 v2, v26  }
0x24f: {  	[tilespmem:v18+s20+$0x0] =	vst.idx.add.f32.msk $0xffff, v43;
	v18 =	vadd.s32 v2, v27  }
0x250: {  	[tilespmem:v19+s20+$0x0] =	vst.idx.add.f32.msk $0xffff, v44;
	v19 =	vadd.s32 v2, v28  }
0x251: {  	[tilespmem:v0+s20+$0x0] =	vst.idx.add.f32.msk $0xffff, v46;
	v0 =	vadd.s32 v2, v30  }
0x252: {  	[tilespmem:v1+s20+$0x0] =	vst.idx.add.f32.msk $0xffff, v47;
	v1 =	vadd.s32 v2, v31  }
0x253: {  	[tilespmem:v3+s20+$0x0] =	vst.idx.add.f32.msk $0xffff, v48;
	v3 =	vadd.s32 v2, v32  }
0x254: {  	[tilespmem:v18+s20+$0x0] =	vst.idx.add.f32.msk $0xffff, v49;
	v18 =	vadd.s32 v2, v33  }
0x255: {  	[tilespmem:v19+s20+$0x0] =	vst.idx.add.f32.msk $0xffff, v50;
	v19 =	vadd.s32 v2, v34  }
0x256: {  	[tilespmem:v0+s20+$0x0] =	vst.idx.add.f32.msk $0xffff, v52  }
0x257: {  	[tilespmem:v1+s20+$0x0] =	vst.idx.add.f32.msk $0xffff, v53  }
0x258: {  	[tilespmem:v3+s20+$0x0] =	vst.idx.add.f32.msk $0xffff, v54  }
0x259: {  	[tilespmem:v18+s20+$0x0] =	vst.idx.add.f32.msk $0xffff, v55  }
0x25a: {  	s30 =	simm.s32 $0x29D0;
	s29 =	simm.s32 $0x0;
	[tilespmem:v19+s20+$0x0] =	vst.idx.add.f32.msk $0xffff, v56  }
.LBB2_10:
0x25b: {  	v0 =	vld [tilespmem:s30+$0xB0];
	s26 =	sadd.s32 $0x190, s26;
	s28 =	sadd.s32 $0x190, s28  }
0x25c: {  	s29 =	sadd.s32 $0x19, s29;
	s0 =	sand.u32 $0x3FF0, s26;
	v1 =	vld [tilespmem:s28+$0xB0]  }
0x25d: {  	p0 =	slt.u32 s29, $0x258;
	v3 =	vld [tilespmem:s0+$0x7800]  }
0x25e: {  	v18 =	vld [tilespmem:s0+$0x7700]  }
0x25f: {  	v19 =	vld [tilespmem:s0+$0x7780]  }
0x260: {  	v20 =	vld [tilespmem:s0+$0x2800]  }
0x261: {  	v21 =	vld [tilespmem:s0+$0x2880];
	v1 =	vadd.s32 v2, v1  }
0x262: {  	v22 =	vld [tilespmem:s0+$0x2900];
	v3 =	vadd.s32 v2, v3  }
0x263: {  	v23 =	vld [tilespmem:s28+$0xFFFFFF50];
	v18 =	vadd.s32 v2, v18  }
0x264: {  	v24 =	vld [tilespmem:s28+$0xFFFFFF60];
	v19 =	vadd.s32 v2, v19  }
0x265: {  	v25 =	vld [tilespmem:s28+$0xFFFFFF70]  }
0x266: {  	[tilespmem:v1+s20+$0x0] =	vst.idx.add.f32.msk $0xffff, v0  }
0x267: {  	[tilespmem:v3+s20+$0x0] =	vst.idx.add.f32.msk $0xffff, v22  }
0x268: {  	v0 =	vadd.s32 v2, v23;
	[tilespmem:v18+s20+$0x0] =	vst.idx.add.f32.msk $0xffff, v20  }
0x269: {  	v1 =	vadd.s32 v2, v24;
	[tilespmem:v19+s20+$0x0] =	vst.idx.add.f32.msk $0xffff, v21  }
0x26a: {  	v3 =	vadd.s32 v2, v25;
	v18 =	vld [tilespmem:s28+$0xFFFFFF80]  }
0x26b: {  	v19 =	vld [tilespmem:s28+$0xFFFFFF90]  }
0x26c: {  	v20 =	vld [tilespmem:s28+$0xFFFFFFA0]  }
0x26d: {  	v21 =	vld [tilespmem:s28+$0xFFFFFFB0]  }
0x26e: {  	v22 =	vld [tilespmem:s28+$0xFFFFFFD0]  }
0x26f: {  	v18 =	vadd.s32 v2, v18;
	v23 =	vld [tilespmem:s28+$0xFFFFFFE0]  }
0x270: {  	v19 =	vadd.s32 v2, v19;
	v24 =	vld [tilespmem:s28+$0xFFFFFFF0]  }
0x271: {  	v20 =	vadd.s32 v2, v20;
	v25 =	vld [tilespmem:s28+$0x0]  }
0x272: {  	v21 =	vadd.s32 v2, v21;
	v26 =	vld [tilespmem:s28+$0x10]  }
0x273: {  	v22 =	vadd.s32 v2, v22;
	v27 =	vld [tilespmem:s28+$0x20]  }
0x274: {  	v23 =	vadd.s32 v2, v23;
	v28 =	vld [tilespmem:s28+$0x30]  }
0x275: {  	v24 =	vadd.s32 v2, v24;
	v29 =	vld [tilespmem:s28+$0x50]  }
0x276: {  	v25 =	vadd.s32 v2, v25;
	v30 =	vld [tilespmem:s28+$0x60]  }
0x277: {  	v26 =	vadd.s32 v2, v26;
	v31 =	vld [tilespmem:s28+$0x70]  }
0x278: {  	v27 =	vadd.s32 v2, v27;
	v32 =	vld [tilespmem:s28+$0x80]  }
0x279: {  	v28 =	vadd.s32 v2, v28;
	v33 =	vld [tilespmem:s28+$0x90]  }
0x27a: {  	v29 =	vadd.s32 v2, v29;
	v34 =	vld [tilespmem:s28+$0xA0]  }
0x27b: {  	v35 =	vld [tilespmem:s28+$0xFFFFFF40];
	v30 =	vadd.s32 v2, v30  }
0x27c: {  	v36 =	vld [tilespmem:s30+$0xFFFFFF40];
	v31 =	vadd.s32 v2, v31  }
0x27d: {  	v37 =	vld [tilespmem:s30+$0xFFFFFF50];
	v32 =	vadd.s32 v2, v32  }
0x27e: {  	v38 =	vld [tilespmem:s30+$0xFFFFFF60];
	v33 =	vadd.s32 v2, v33  }
0x27f: {  	v39 =	vld [tilespmem:s30+$0xFFFFFF70];
	v34 =	vadd.s32 v2, v34  }
0x280: {  	v35 =	vadd.s32 v2, v35;
	v40 =	vld [tilespmem:s30+$0xFFFFFF80]  }
0x281: {  	v41 =	vld [tilespmem:s30+$0xFFFFFF90]  }
0x282: {  	v42 =	vld [tilespmem:s30+$0xFFFFFFA0]  }
0x283: {  	v43 =	vld [tilespmem:s30+$0xFFFFFFB0]  }
0x284: {  	v44 =	vld [tilespmem:s30+$0xFFFFFFD0]  }
0x285: {  	v45 =	vld [tilespmem:s30+$0xFFFFFFE0]  }
0x286: {  	v46 =	vld [tilespmem:s30+$0xFFFFFFF0]  }
0x287: {  	v47 =	vld [tilespmem:s30+$0x0]  }
0x288: {  	v48 =	vld [tilespmem:s30+$0x10]  }
0x289: {  	v49 =	vld [tilespmem:s30+$0x20]  }
0x28a: {  	v50 =	vld [tilespmem:s30+$0x30]  }
0x28b: {  	v51 =	vld [tilespmem:s30+$0x50]  }
0x28c: {  	v52 =	vld [tilespmem:s30+$0x60]  }
0x28d: {  	v53 =	vld [tilespmem:s30+$0x70]  }
0x28e: {  	v54 =	vld [tilespmem:s30+$0x80]  }
0x28f: {  	v55 =	vld [tilespmem:s30+$0x90]  }
0x290: {  	v56 =	vld [tilespmem:s30+$0xA0]  }
0x291: {  	[tilespmem:v35+s20+$0x0] =	vst.idx.add.f32.msk $0xffff, v36  }
0x292: {  	[tilespmem:v0+s20+$0x0] =	vst.idx.add.f32.msk $0xffff, v37  }
0x293: {  	[tilespmem:v1+s20+$0x0] =	vst.idx.add.f32.msk $0xffff, v38  }
0x294: {  	[tilespmem:v3+s20+$0x0] =	vst.idx.add.f32.msk $0xffff, v39  }
0x295: {  	[tilespmem:v18+s20+$0x0] =	vst.idx.add.f32.msk $0xffff, v40  }
0x296: {  	[tilespmem:v19+s20+$0x0] =	vst.idx.add.f32.msk $0xffff, v41  }
0x297: {  	[tilespmem:v20+s20+$0x0] =	vst.idx.add.f32.msk $0xffff, v42  }
0x298: {  	[tilespmem:v21+s20+$0x0] =	vst.idx.add.f32.msk $0xffff, v43  }
0x299: {  	[tilespmem:v22+s20+$0x0] =	vst.idx.add.f32.msk $0xffff, v44  }
0x29a: {  	[tilespmem:v23+s20+$0x0] =	vst.idx.add.f32.msk $0xffff, v45  }
0x29b: {  	[tilespmem:v24+s20+$0x0] =	vst.idx.add.f32.msk $0xffff, v46  }
0x29c: {  	[tilespmem:v25+s20+$0x0] =	vst.idx.add.f32.msk $0xffff, v47  }
0x29d: {  	[tilespmem:v26+s20+$0x0] =	vst.idx.add.f32.msk $0xffff, v48  }
0x29e: {  	[tilespmem:v27+s20+$0x0] =	vst.idx.add.f32.msk $0xffff, v49  }
0x29f: {  	[tilespmem:v28+s20+$0x0] =	vst.idx.add.f32.msk $0xffff, v50  }
0x2a0: {  	[tilespmem:v29+s20+$0x0] =	vst.idx.add.f32.msk $0xffff, v51  }
.Ltmp4:
0x2a1: {  	[tilespmem:v30+s20+$0x0] =	vst.idx.add.f32.msk $0xffff, v52;
	(pc) =	sbr.rel @p0 .LBB2_10-.Ltmp4, $4  }
0x2a2: {  	[tilespmem:v31+s20+$0x0] =	vst.idx.add.f32.msk $0xffff, v53  }
0x2a3: {  	[tilespmem:v32+s20+$0x0] =	vst.idx.add.f32.msk $0xffff, v54  }
0x2a4: {  	[tilespmem:v33+s20+$0x0] =	vst.idx.add.f32.msk $0xffff, v55  }
0x2a5: {  	s30 =	sadd.s32 $0x190, s30;
	[tilespmem:v34+s20+$0x0] =	vst.idx.add.f32.msk $0xffff, v56  }
0x2a6: {  	_ =	swait.ge [sflag:s18], $0x2710  }
0x2a7: {  	[sflag:s18] =	ssyncset.done $0x0  }
0x2a8: {  	[sflag:s18] =	ssyncadd.s32 $0xFFFFD8F0  }
0x2a9: {  	_ =	swait.ge [sflag:s19], $0x2710  }
0x2aa: {  	[sflag:s19] =	ssyncset.done $0x0  }
0x2ab: {  	s0 =	simm.s32 $0xC0;
	[sflag:s19] =	ssyncadd.s32 $0xFFFFD8F0  }
0x2ac: {  	s28 =	simm.s32 $0x0;
	s29 =	simm.s32 $0x4FC0;
	v0 =	vld [tilespmem:s0+$0xB0]  }
0x2ad: {  	s26 =	sand.u32 $0x3FF0, s28;
	v1 =	vld [tilespmem:s29+$0xB0]  }
0x2ae: {  	v3 =	vld [tilespmem:s26+$0x5080]  }
0x2af: {  	v18 =	vld [tilespmem:s26+$0x4F80]  }
0x2b0: {  	v19 =	vld [tilespmem:s26+$0x5000]  }
0x2b1: {  	v20 =	vld [tilespmem:s26+$0x80]  }
0x2b2: {  	v21 =	vld [tilespmem:s26+$0x100]  }
0x2b3: {  	v22 =	vld [tilespmem:s26+$0x180]  }
0x2b4: {  	v23 =	vld [tilespmem:s29+$0xFFFFFF50]  }
0x2b5: {  	v24 =	vld [tilespmem:s29+$0xFFFFFF60]  }
0x2b6: {  	v25 =	vld [tilespmem:s29+$0xFFFFFF70]  }
0x2b7: {  	v60 =	vld [tilespmem:s29+$0xFFFFFFE0]  }
0x2b8: {  	v61 =	vld [tilespmem:s29+$0xFFFFFFF0]  }
0x2b9: {  	v62 =	vld [tilespmem:s29+$0x0]  }
0x2ba: {  	v26 =	vld [tilespmem:s29+$0x10]  }
0x2bb: {  	v27 =	vld [tilespmem:s29+$0x20]  }
0x2bc: {  	v28 =	vld [tilespmem:s29+$0x30]  }
0x2bd: {  	v29 =	vld [tilespmem:s29+$0x50]  }
0x2be: {  	v30 =	vld [tilespmem:s29+$0x60]  }
0x2bf: {  	v31 =	vld [tilespmem:s29+$0x70]  }
0x2c0: {  	v32 =	vld [tilespmem:s29+$0x80]  }
0x2c1: {  	v33 =	vld [tilespmem:s29+$0x90]  }
0x2c2: {  	v34 =	vld [tilespmem:s29+$0xA0]  }
0x2c3: {  	v35 =	vld [tilespmem:s29+$0xFFFFFF40]  }
0x2c4: {  	v36 =	vld [tilespmem:s0+$0xFFFFFF40]  }
0x2c5: {  	v37 =	vld [tilespmem:s0+$0xFFFFFF50]  }
0x2c6: {  	v38 =	vld [tilespmem:s0+$0xFFFFFF60]  }
0x2c7: {  	v39 =	vld [tilespmem:s0+$0xFFFFFF70]  }
0x2c8: {  	v40 =	vld [tilespmem:s0+$0xFFFFFF80]  }
0x2c9: {  	v41 =	vld [tilespmem:s0+$0xFFFFFF90]  }
0x2ca: {  	v42 =	vld [tilespmem:s0+$0xFFFFFFA0]  }
0x2cb: {  	v43 =	vld [tilespmem:s0+$0xFFFFFFB0]  }
0x2cc: {  	v44 =	vld [tilespmem:s0+$0xFFFFFFD0]  }
0x2cd: {  	v45 =	vld [tilespmem:s0+$0xFFFFFFE0]  }
0x2ce: {  	v46 =	vld [tilespmem:s0+$0xFFFFFFF0]  }
0x2cf: {  	v47 =	vld [tilespmem:s0+$0x0]  }
0x2d0: {  	v48 =	vld [tilespmem:s0+$0x10]  }
0x2d1: {  	v49 =	vld [tilespmem:s0+$0x20]  }
0x2d2: {  	v50 =	vld [tilespmem:s0+$0x30]  }
0x2d3: {  	v51 =	vld [tilespmem:s0+$0x50]  }
0x2d4: {  	v52 =	vld [tilespmem:s0+$0x60];
	v1 =	vadd.s32 v2, v1  }
0x2d5: {  	v53 =	vld [tilespmem:s0+$0x70];
	v3 =	vadd.s32 v2, v3  }
0x2d6: {  	v54 =	vld [tilespmem:s0+$0x80];
	v18 =	vadd.s32 v2, v18  }
0x2d7: {  	v55 =	vld [tilespmem:s0+$0x90];
	v19 =	vadd.s32 v2, v19  }
0x2d8: {  	v56 =	vld [tilespmem:s0+$0xA0]  }
0x2d9: {  	[tilespmem:v1+s20+$0x0] =	vst.idx.add.f32.msk $0xffff, v0  }
0x2da: {  	[tilespmem:v3+s20+$0x0] =	vst.idx.add.f32.msk $0xffff, v22  }
0x2db: {  	[tilespmem:v18+s20+$0x0] =	vst.idx.add.f32.msk $0xffff, v20  }
0x2dc: {  	[tilespmem:v19+s20+$0x0] =	vst.idx.add.f32.msk $0xffff, v21  }
0x2dd: {  	v35 =	vadd.s32 v2, v35;
	v0 =	vld [tilespmem:s29+$0xFFFFFF80]  }
0x2de: {  	v23 =	vadd.s32 v2, v23;
	v1 =	vld [tilespmem:s29+$0xFFFFFF90]  }
0x2df: {  	v24 =	vadd.s32 v2, v24;
	v3 =	vld [tilespmem:s29+$0xFFFFFFA0]  }
0x2e0: {  	v25 =	vadd.s32 v2, v25;
	v18 =	vld [tilespmem:s29+$0xFFFFFFB0]  }
0x2e1: {  	v63 =	vadd.s32 v2, v29;
	v19 =	vld [tilespmem:s29+$0xFFFFFFD0]  }
0x2e2: {  	[tilespmem:v35+s20+$0x0] =	vst.idx.add.f32.msk $0xffff, v36;
	v20 =	vadd.s32 v2, v60  }
0x2e3: {  	[tilespmem:v23+s20+$0x0] =	vst.idx.add.f32.msk $0xffff, v37;
	v0 =	vadd.s32 v2, v0  }
0x2e4: {  	[tilespmem:v24+s20+$0x0] =	vst.idx.add.f32.msk $0xffff, v38;
	v1 =	vadd.s32 v2, v1  }
0x2e5: {  	[tilespmem:v25+s20+$0x0] =	vst.idx.add.f32.msk $0xffff, v39;
	v3 =	vadd.s32 v2, v3  }
0x2e6: {  	[tilespmem:v63+s20+$0x0] =	vst.idx.add.f32.msk $0xffff, v51;
	v18 =	vadd.s32 v2, v18  }
0x2e7: {  	v19 =	vadd.s32 v2, v19;
	[tilespmem:v20+s20+$0x0] =	vst.idx.add.f32.msk $0xffff, v45  }
0x2e8: {  	[tilespmem:v0+s20+$0x0] =	vst.idx.add.f32.msk $0xffff, v40;
	v0 =	vadd.s32 v2, v61  }
0x2e9: {  	[tilespmem:v1+s20+$0x0] =	vst.idx.add.f32.msk $0xffff, v41;
	v1 =	vadd.s32 v2, v62  }
0x2ea: {  	[tilespmem:v3+s20+$0x0] =	vst.idx.add.f32.msk $0xffff, v42;
	v3 =	vadd.s32 v2, v26  }
0x2eb: {  	[tilespmem:v18+s20+$0x0] =	vst.idx.add.f32.msk $0xffff, v43;
	v18 =	vadd.s32 v2, v27  }
0x2ec: {  	[tilespmem:v19+s20+$0x0] =	vst.idx.add.f32.msk $0xffff, v44;
	v19 =	vadd.s32 v2, v28  }
0x2ed: {  	[tilespmem:v0+s20+$0x0] =	vst.idx.add.f32.msk $0xffff, v46;
	v0 =	vadd.s32 v2, v30  }
0x2ee: {  	[tilespmem:v1+s20+$0x0] =	vst.idx.add.f32.msk $0xffff, v47;
	v1 =	vadd.s32 v2, v31  }
0x2ef: {  	[tilespmem:v3+s20+$0x0] =	vst.idx.add.f32.msk $0xffff, v48;
	v3 =	vadd.s32 v2, v32  }
0x2f0: {  	[tilespmem:v18+s20+$0x0] =	vst.idx.add.f32.msk $0xffff, v49;
	v18 =	vadd.s32 v2, v33  }
0x2f1: {  	[tilespmem:v19+s20+$0x0] =	vst.idx.add.f32.msk $0xffff, v50;
	v19 =	vadd.s32 v2, v34  }
0x2f2: {  	[tilespmem:v0+s20+$0x0] =	vst.idx.add.f32.msk $0xffff, v52  }
0x2f3: {  	[tilespmem:v1+s20+$0x0] =	vst.idx.add.f32.msk $0xffff, v53  }
0x2f4: {  	[tilespmem:v3+s20+$0x0] =	vst.idx.add.f32.msk $0xffff, v54  }
0x2f5: {  	s30 =	simm.s32 $0x0;
	[tilespmem:v18+s20+$0x0] =	vst.idx.add.f32.msk $0xffff, v55  }
0x2f6: {  	s31 =	simm.s32 $0x250;
	s26 =	simm.s32 $0xDEA0;
	s0 =	simm.s32 $0x0;
	[tilespmem:v19+s20+$0x0] =	vst.idx.add.f32.msk $0xffff, v56  }
.LBB2_12:
0x2f7: {  	v0 =	vld [tilespmem:s31+$0xB0];
	s0 =	sadd.s32 $0x190, s0;
	s29 =	sadd.s32 $0x190, s29  }
0x2f8: {  	s30 =	sadd.s32 $0x19, s30;
	s1 =	sand.u32 $0x3FF0, s0;
	v1 =	vld [tilespmem:s29+$0xB0]  }
0x2f9: {  	p0 =	slt.u32 s30, $0x258;
	v3 =	vld [tilespmem:s1+$0x5080]  }
0x2fa: {  	v18 =	vld [tilespmem:s1+$0x4F80]  }
0x2fb: {  	v19 =	vld [tilespmem:s1+$0x5000]  }
0x2fc: {  	v20 =	vld [tilespmem:s1+$0x80]  }
0x2fd: {  	v21 =	vld [tilespmem:s1+$0x100];
	v1 =	vadd.s32 v2, v1  }
0x2fe: {  	v22 =	vld [tilespmem:s1+$0x180];
	v3 =	vadd.s32 v2, v3  }
0x2ff: {  	v23 =	vld [tilespmem:s29+$0xFFFFFF50];
	v18 =	vadd.s32 v2, v18  }
0x300: {  	v24 =	vld [tilespmem:s29+$0xFFFFFF60];
	v19 =	vadd.s32 v2, v19  }
0x301: {  	v25 =	vld [tilespmem:s29+$0xFFFFFF70]  }
0x302: {  	[tilespmem:v1+s20+$0x0] =	vst.idx.add.f32.msk $0xffff, v0  }
0x303: {  	[tilespmem:v3+s20+$0x0] =	vst.idx.add.f32.msk $0xffff, v22  }
0x304: {  	v0 =	vadd.s32 v2, v23;
	[tilespmem:v18+s20+$0x0] =	vst.idx.add.f32.msk $0xffff, v20  }
0x305: {  	v1 =	vadd.s32 v2, v24;
	[tilespmem:v19+s20+$0x0] =	vst.idx.add.f32.msk $0xffff, v21  }
0x306: {  	v3 =	vadd.s32 v2, v25;
	v18 =	vld [tilespmem:s29+$0xFFFFFF80]  }
0x307: {  	v19 =	vld [tilespmem:s29+$0xFFFFFF90]  }
0x308: {  	v20 =	vld [tilespmem:s29+$0xFFFFFFA0]  }
0x309: {  	v21 =	vld [tilespmem:s29+$0xFFFFFFB0]  }
0x30a: {  	v22 =	vld [tilespmem:s29+$0xFFFFFFD0]  }
0x30b: {  	v18 =	vadd.s32 v2, v18;
	v23 =	vld [tilespmem:s29+$0xFFFFFFE0]  }
0x30c: {  	v19 =	vadd.s32 v2, v19;
	v24 =	vld [tilespmem:s29+$0xFFFFFFF0]  }
0x30d: {  	v20 =	vadd.s32 v2, v20;
	v25 =	vld [tilespmem:s29+$0x0]  }
0x30e: {  	v21 =	vadd.s32 v2, v21;
	v26 =	vld [tilespmem:s29+$0x10]  }
0x30f: {  	v22 =	vadd.s32 v2, v22;
	v27 =	vld [tilespmem:s29+$0x20]  }
0x310: {  	v23 =	vadd.s32 v2, v23;
	v28 =	vld [tilespmem:s29+$0x30]  }
0x311: {  	v24 =	vadd.s32 v2, v24;
	v29 =	vld [tilespmem:s29+$0x50]  }
0x312: {  	v25 =	vadd.s32 v2, v25;
	v30 =	vld [tilespmem:s29+$0x60]  }
0x313: {  	v26 =	vadd.s32 v2, v26;
	v31 =	vld [tilespmem:s29+$0x70]  }
0x314: {  	v27 =	vadd.s32 v2, v27;
	v32 =	vld [tilespmem:s29+$0x80]  }
0x315: {  	v28 =	vadd.s32 v2, v28;
	v33 =	vld [tilespmem:s29+$0x90]  }
0x316: {  	v29 =	vadd.s32 v2, v29;
	v34 =	vld [tilespmem:s29+$0xA0]  }
0x317: {  	v35 =	vld [tilespmem:s29+$0xFFFFFF40];
	v30 =	vadd.s32 v2, v30  }
0x318: {  	v36 =	vld [tilespmem:s31+$0xFFFFFF40];
	v31 =	vadd.s32 v2, v31  }
0x319: {  	v37 =	vld [tilespmem:s31+$0xFFFFFF50];
	v32 =	vadd.s32 v2, v32  }
0x31a: {  	v38 =	vld [tilespmem:s31+$0xFFFFFF60];
	v33 =	vadd.s32 v2, v33  }
0x31b: {  	v39 =	vld [tilespmem:s31+$0xFFFFFF70];
	v34 =	vadd.s32 v2, v34  }
0x31c: {  	v35 =	vadd.s32 v2, v35;
	v40 =	vld [tilespmem:s31+$0xFFFFFF80]  }
0x31d: {  	v41 =	vld [tilespmem:s31+$0xFFFFFF90]  }
0x31e: {  	v42 =	vld [tilespmem:s31+$0xFFFFFFA0]  }
0x31f: {  	v43 =	vld [tilespmem:s31+$0xFFFFFFB0]  }
0x320: {  	v44 =	vld [tilespmem:s31+$0xFFFFFFD0]  }
0x321: {  	v45 =	vld [tilespmem:s31+$0xFFFFFFE0]  }
0x322: {  	v46 =	vld [tilespmem:s31+$0xFFFFFFF0]  }
0x323: {  	v47 =	vld [tilespmem:s31+$0x0]  }
0x324: {  	v48 =	vld [tilespmem:s31+$0x10]  }
0x325: {  	v49 =	vld [tilespmem:s31+$0x20]  }
0x326: {  	v50 =	vld [tilespmem:s31+$0x30]  }
0x327: {  	v51 =	vld [tilespmem:s31+$0x50]  }
0x328: {  	v52 =	vld [tilespmem:s31+$0x60]  }
0x329: {  	v53 =	vld [tilespmem:s31+$0x70]  }
0x32a: {  	v54 =	vld [tilespmem:s31+$0x80]  }
0x32b: {  	v55 =	vld [tilespmem:s31+$0x90]  }
0x32c: {  	v56 =	vld [tilespmem:s31+$0xA0]  }
0x32d: {  	[tilespmem:v35+s20+$0x0] =	vst.idx.add.f32.msk $0xffff, v36  }
0x32e: {  	[tilespmem:v0+s20+$0x0] =	vst.idx.add.f32.msk $0xffff, v37  }
0x32f: {  	[tilespmem:v1+s20+$0x0] =	vst.idx.add.f32.msk $0xffff, v38  }
0x330: {  	[tilespmem:v3+s20+$0x0] =	vst.idx.add.f32.msk $0xffff, v39  }
0x331: {  	[tilespmem:v18+s20+$0x0] =	vst.idx.add.f32.msk $0xffff, v40  }
0x332: {  	[tilespmem:v19+s20+$0x0] =	vst.idx.add.f32.msk $0xffff, v41  }
0x333: {  	[tilespmem:v20+s20+$0x0] =	vst.idx.add.f32.msk $0xffff, v42  }
0x334: {  	[tilespmem:v21+s20+$0x0] =	vst.idx.add.f32.msk $0xffff, v43  }
0x335: {  	[tilespmem:v22+s20+$0x0] =	vst.idx.add.f32.msk $0xffff, v44  }
0x336: {  	[tilespmem:v23+s20+$0x0] =	vst.idx.add.f32.msk $0xffff, v45  }
0x337: {  	[tilespmem:v24+s20+$0x0] =	vst.idx.add.f32.msk $0xffff, v46  }
0x338: {  	[tilespmem:v25+s20+$0x0] =	vst.idx.add.f32.msk $0xffff, v47  }
0x339: {  	[tilespmem:v26+s20+$0x0] =	vst.idx.add.f32.msk $0xffff, v48  }
0x33a: {  	[tilespmem:v27+s20+$0x0] =	vst.idx.add.f32.msk $0xffff, v49  }
0x33b: {  	[tilespmem:v28+s20+$0x0] =	vst.idx.add.f32.msk $0xffff, v50  }
0x33c: {  	[tilespmem:v29+s20+$0x0] =	vst.idx.add.f32.msk $0xffff, v51  }
.Ltmp5:
0x33d: {  	[tilespmem:v30+s20+$0x0] =	vst.idx.add.f32.msk $0xffff, v52;
	(pc) =	sbr.rel @p0 .LBB2_12-.Ltmp5, $4  }
0x33e: {  	[tilespmem:v31+s20+$0x0] =	vst.idx.add.f32.msk $0xffff, v53  }
0x33f: {  	[tilespmem:v32+s20+$0x0] =	vst.idx.add.f32.msk $0xffff, v54  }
0x340: {  	[tilespmem:v33+s20+$0x0] =	vst.idx.add.f32.msk $0xffff, v55  }
0x341: {  	s31 =	sadd.s32 $0x190, s31;
	[tilespmem:v34+s20+$0x0] =	vst.idx.add.f32.msk $0xffff, v56  }
0x342: {  	v0 =	vor.u32 s28, v9  }
0x343: {  	v26 =	vor.u32 s28, v10  }
0x344: {  	v32 =	vor.u32 s28, v11  }
0x345: {  	v38 =	vor.u32 s28, v12  }
0x346: {  	s1 =	simm.s32 $0x30;
	v56 =	vor.u32 s28, v15  }
0x347: {  	v1 =	vor.u32 s1, v9;
	v0 =	vld.idx.msk [tilespmem:v0+s20+$0x0], $0xffff  }
0x348: {  	s0 =	simm.s32 $0x10;
	v3 =	vadd.s32 s1, v10;
	v26 =	vld.idx.msk [tilespmem:v26+s20+$0x0], $0xffff  }
0x349: {  	v18 =	vor.u32 s0, v9;
	v32 =	vld.idx.msk [tilespmem:v32+s20+$0x0], $0xffff  }
0x34a: {  	v19 =	vadd.s32 s1, v11;
	v38 =	vld.idx.msk [tilespmem:v38+s20+$0x0], $0xffff  }
0x34b: {  	v20 =	vadd.s32 s0, v10;
	v62 =	vld.idx.msk [tilespmem:v56+s20+$0x0], $0xffff  }
0x34c: {  	s30 =	simm.s32 $0x20;
	v21 =	vadd.s32 s1, v12;
	v1 =	vld.idx.msk [tilespmem:v1+s20+$0x0], $0xffff  }
0x34d: {  	v22 =	vor.u32 s30, v9;
	v3 =	vld.idx.msk [tilespmem:v3+s20+$0x0], $0xffff  }
0x34e: {  	v23 =	vadd.s32 s1, v13;
	v18 =	vld.idx.msk [tilespmem:v18+s20+$0x0], $0xffff  }
0x34f: {  	v24 =	vor.u32 s30, v10;
	v19 =	vld.idx.msk [tilespmem:v19+s20+$0x0], $0xffff  }
0x350: {  	v25 =	vadd.s32 s1, v14;
	v20 =	vld.idx.msk [tilespmem:v20+s20+$0x0], $0xffff  }
0x351: {  	v27 =	vadd.s32 s1, v15;
	v21 =	vld.idx.msk [tilespmem:v21+s20+$0x0], $0xffff  }
0x352: {  	v28 =	vadd.s32 s0, v11;
	v22 =	vld.idx.msk [tilespmem:v22+s20+$0x0], $0xffff  }
0x353: {  	v29 =	vadd.s32 s1, v16;
	v23 =	vld.idx.msk [tilespmem:v23+s20+$0x0], $0xffff  }
0x354: {  	v30 =	vor.u32 s30, v11;
	v24 =	vld.idx.msk [tilespmem:v24+s20+$0x0], $0xffff  }
0x355: {  	v31 =	vadd.s32 s1, v17;
	v25 =	vld.idx.msk [tilespmem:v25+s20+$0x0], $0xffff  }
0x356: {  	v33 =	vadd.s32 s1, v4;
	v27 =	vld.idx.msk [tilespmem:v27+s20+$0x0], $0xffff  }
0x357: {  	v34 =	vadd.s32 s0, v12;
	v28 =	vld.idx.msk [tilespmem:v28+s20+$0x0], $0xffff  }
0x358: {  	v35 =	vadd.s32 s1, v5;
	v29 =	vld.idx.msk [tilespmem:v29+s20+$0x0], $0xffff  }
0x359: {  	v36 =	vor.u32 s30, v12;
	v30 =	vld.idx.msk [tilespmem:v30+s20+$0x0], $0xffff  }
0x35a: {  	v37 =	vadd.s32 s1, v6;
	v31 =	vld.idx.msk [tilespmem:v31+s20+$0x0], $0xffff  }
0x35b: {  	v39 =	vadd.s32 s1, v7;
	v33 =	vld.idx.msk [tilespmem:v33+s20+$0x0], $0xffff  }
0x35c: {  	v40 =	vadd.s32 s0, v13;
	v34 =	vld.idx.msk [tilespmem:v34+s20+$0x0], $0xffff  }
0x35d: {  	v41 =	vadd.s32 s1, v8;
	v35 =	vld.idx.msk [tilespmem:v35+s20+$0x0], $0xffff  }
0x35e: {  	v43 =	vadd.s32 s1, v57;
	v36 =	vld.idx.msk [tilespmem:v36+s20+$0x0], $0xffff  }
0x35f: {  	v45 =	vadd.s32 s1, v58;
	v37 =	vld.idx.msk [tilespmem:v37+s20+$0x0], $0xffff  }
0x360: {  	v47 =	vor.u32 s30, v14;
	v39 =	vld.idx.msk [tilespmem:v39+s20+$0x0], $0xffff  }
0x361: {  	v48 =	vadd.s32 s0, v15;
	v40 =	vld.idx.msk [tilespmem:v40+s20+$0x0], $0xffff  }
0x362: {  	v63 =	vor.u32 s28, v17;
	v41 =	vld.idx.msk [tilespmem:v41+s20+$0x0], $0xffff  }
0x363: {  	v42 =	vor.u32 s30, v13;
	v43 =	vld.idx.msk [tilespmem:v43+s20+$0x0], $0xffff;
	v1 =	vadd.f32 v3, v1  }
0x364: {  	v60 =	vor.u32 s28, v16;
	v51 =	vld.idx.msk [tilespmem:v45+s20+$0x0], $0xffff  }
0x365: {  	v52 =	vadd.s32 s0, v7;
	v47 =	vld.idx.msk [tilespmem:v47+s20+$0x0], $0xffff;
	v1 =	vadd.f32 v19, v1  }
0x366: {  	v44 =	vor.u32 s28, v13;
	v48 =	vld.idx.msk [tilespmem:v48+s20+$0x0], $0xffff  }
0x367: {  	v55 =	vor.u32 s30, v15;
	v0 =	vadd.f32 v26, v0;
	v26 =	vld.idx.msk [tilespmem:v63+s20+$0x0], $0xffff;
	v1 =	vadd.f32 v21, v1  }
0x368: {  	v46 =	vadd.s32 s0, v14;
	v3 =	vld.idx.msk [tilespmem:v42+s20+$0x0], $0xffff  }
0x369: {  	v54 =	vor.u32 s28, v14;
	v42 =	vld.idx.msk [tilespmem:v60+s20+$0x0], $0xffff;
	v1 =	vadd.f32 v23, v1  }
0x36a: {  	v50 =	vor.u32 s30, v16;
	v18 =	vadd.f32 v20, v18;
	v20 =	vadd.f32 v24, v22;
	v24 =	vld.idx.msk [tilespmem:v52+s20+$0x0], $0xffff  }
0x36b: {  	v45 =	vor.u32 s28, v4;
	v19 =	vld.idx.msk [tilespmem:v44+s20+$0x0], $0xffff;
	v1 =	vadd.f32 v25, v1  }
0x36c: {  	v59 =	vadd.s32 s0, v16;
	v44 =	vld.idx.msk [tilespmem:v55+s20+$0x0], $0xffff;
	v18 =	vadd.f32 v28, v18;
	v20 =	vadd.f32 v30, v20  }
0x36d: {  	v22 =	vor.u32 s30, v17;
	v0 =	vadd.f32 v32, v0;
	v21 =	vld.idx.msk [tilespmem:v46+s20+$0x0], $0xffff;
	v1 =	vadd.f32 v27, v1  }
0x36e: {  	v61 =	vadd.s32 s0, v17;
	v18 =	vadd.f32 v34, v18;
	v20 =	vadd.f32 v36, v20;
	v23 =	vld.idx.msk [tilespmem:v54+s20+$0x0], $0xffff  }
0x36f: {  	v28 =	vadd.s32 s0, v4;
	v30 =	vld.idx.msk [tilespmem:v50+s20+$0x0], $0xffff;
	v0 =	vadd.f32 v38, v0;
	v1 =	vadd.f32 v29, v1  }
0x370: {  	v46 =	vld.idx.msk [tilespmem:v45+s20+$0x0], $0xffff;
	v18 =	vadd.f32 v40, v18;
	v3 =	vadd.f32 v3, v20;
	v20 =	vor.u32 s30, v5  }
0x371: {  	v0 =	vadd.f32 v19, v0;
	v27 =	vld.idx.msk [tilespmem:v59+s20+$0x0], $0xffff;
	v29 =	vor.u32 s30, v4;
	v1 =	vadd.f32 v31, v1  }
0x372: {  	v22 =	vld.idx.msk [tilespmem:v22+s20+$0x0], $0xffff;
	v3 =	vadd.f32 v47, v3;
	v18 =	vadd.f32 v21, v18;
	v31 =	vadd.s32 s0, v5  }
0x373: {  	v19 =	vor.u32 s28, v5;
	v25 =	vld.idx.msk [tilespmem:v61+s20+$0x0], $0xffff;
	v0 =	vadd.f32 v23, v0;
	v1 =	vadd.f32 v33, v1  }
0x374: {  	v28 =	vld.idx.msk [tilespmem:v28+s20+$0x0], $0xffff;
	v21 =	vadd.s32 s0, v6;
	v3 =	vadd.f32 v44, v3;
	v18 =	vadd.f32 v48, v18  }
0x375: {  	v53 =	vor.u32 s30, v8;
	v20 =	vld.idx.msk [tilespmem:v20+s20+$0x0], $0xffff;
	v0 =	vadd.f32 v62, v0;
	v1 =	vadd.f32 v35, v1  }
0x376: {  	v47 =	vor.u32 s28, v6;
	v3 =	vadd.f32 v30, v3;
	v18 =	vadd.f32 v27, v18;
	v29 =	vld.idx.msk [tilespmem:v29+s20+$0x0], $0xffff  }
0x377: {  	v23 =	vor.u32 s30, v6;
	v0 =	vadd.f32 v42, v0;
	v31 =	vld.idx.msk [tilespmem:v31+s20+$0x0], $0xffff;
	v1 =	vadd.f32 v37, v1  }
0x378: {  	v19 =	vld.idx.msk [tilespmem:v19+s20+$0x0], $0xffff;
	v30 =	vor.u32 s28, v7;
	v3 =	vadd.f32 v22, v3;
	v18 =	vadd.f32 v25, v18  }
0x379: {  	v21 =	vld.idx.msk [tilespmem:v21+s20+$0x0], $0xffff;
	v22 =	vadd.s32 s0, v8;
	v0 =	vadd.f32 v26, v0;
	v1 =	vadd.f32 v39, v1  }
0x37a: {  	v34 =	vld.idx.msk [tilespmem:v53+s20+$0x0], $0xffff;
	v27 =	vor.u32 s30, v7;
	v18 =	vadd.f32 v28, v18  }
0x37b: {  	v55 =	vor.u32 s28, v8;
	v54 =	vld.idx.msk [tilespmem:v47+s20+$0x0], $0xffff;
	v0 =	vadd.f32 v46, v0;
	v1 =	vadd.f32 v41, v1  }
0x37c: {  	v23 =	vld.idx.msk [tilespmem:v23+s20+$0x0], $0xffff;
	v3 =	vadd.f32 v29, v3;
	v29 =	vadd.s32 s0, v57;
	v18 =	vadd.f32 v31, v18  }
0x37d: {  	v42 =	vld.idx.msk [tilespmem:v30+s20+$0x0], $0xffff;
	v0 =	vadd.f32 v19, v0;
	v1 =	vadd.f32 v43, v1  }
0x37e: {  	v49 =	vmovc v4;
	v33 =	vld.idx.msk [tilespmem:v22+s20+$0x0], $0xffff;
	v3 =	vadd.f32 v20, v3;
	v20 =	vadd.f32 v21, v18;
	v21 =	vor.u32 s30, v57  }
0x37f: {  	v44 =	vmovc v6;
	v48 =	vmovc v57;
	v47 =	vmov v8;
	v28 =	vor.u32 s28, v57;
	v45 =	vld.idx.msk [tilespmem:v27+s20+$0x0], $0xffff;
	v1 =	vadd.f32 v51, v1  }
0x380: {  	v22 =	vor.u32 s30, v58;
	v46 =	vmovc v7;
	v19 =	vadd.s32 s0, v58;
	v39 =	vld.idx.msk [tilespmem:v55+s20+$0x0], $0xffff;
	v59 =	vadd.f32 v54, v0;
	v41 =	vmovc v5  }
0x381: {  	s29 =	simm.s32 $0x0;
	v60 =	vadd.f32 v23, v3;
	v43 =	vld.idx.msk [tilespmem:v29+s20+$0x0], $0xffff;
	v57 =	vadd.f32 v24, v20;
	v20 =	vor.u32 s28, v58;
	s28 =	simm.s32 $0x40;
	[tilespmem:s26+$0x10] =	vst v1  }
.LBB2_14:
0x382: {  	_ = 	snop  }
0x383: {  	v3 =	vor.u32 s28, v9;
	s31 =	sadd.s32 $0x10, s28;
	s0 =	sadd.s32 $0x30, s28;
	v61 =	vld.idx.msk [tilespmem:v21+s20+$0x0], $0xffff  }
0x384: {  	v25 =	vor.u32 s28, v10;
	v62 =	vld.idx.msk [tilespmem:v28+s20+$0x0], $0xffff;
	v24 =	vor.u32 s0, v9;
	v0 =	vadd.s32 s31, v16  }
0x385: {  	v4 =	vor.u32 s28, v11;
	v63 =	vld.idx.msk [tilespmem:v19+s20+$0x0], $0xffff;
	v27 =	vadd.s32 s0, v10;
	[tilespmem:$0x1FEE0] =	vst v0;
	v0 =	vor.u32 s28, v16  }
0x386: {  	v36 =	vld.idx.msk [tilespmem:v22+s20+$0x0], $0xffff;
	v7 =	vor.u32 s28, v12;
	v21 =	vor.u32 s31, v9;
	[tilespmem:$0x1FEF0] =	vst v0;
	v0 =	vadd.s32 s31, v17  }
0x387: {  	s30 =	sadd.s32 $0x20, s28;
	v35 =	vld.idx.msk [tilespmem:v20+s20+$0x0], $0xffff;
	v40 =	vor.u32 s28, v13;
	v22 =	vadd.s32 s0, v11;
	[tilespmem:$0x1FF00] =	vst v0;
	v0 =	vor.u32 s28, v17  }
0x388: {  	v55 =	vor.u32 s28, v14;
	v23 =	vadd.s32 s31, v10;
	v20 =	vld.idx.msk [tilespmem:v3+s20+$0x0], $0xffff;
	[tilespmem:$0x1FF20] =	vst v0;
	v0 =	vor.u32 s30, v17  }
0x389: {  	v52 =	vor.u32 s28, v15;
	v28 =	vadd.s32 s0, v12;
	v24 =	vld.idx.msk [tilespmem:v24+s20+$0x0], $0xffff;
	[tilespmem:$0x1FF10] =	vst v0;
	v0 =	vor.u32 s28, v49  }
0x38a: {  	v18 =	vor.u32 s30, v9;
	v26 =	vor.u32 s30, v10;
	v27 =	vld.idx.msk [tilespmem:v27+s20+$0x0], $0xffff;
	[tilespmem:$0x1FF50] =	vst v0;
	v0 =	vadd.s32 s31, v49  }
0x38b: {  	v19 =	vadd.s32 s31, v11;
	v30 =	vadd.s32 s0, v13;
	v21 =	vld.idx.msk [tilespmem:v21+s20+$0x0], $0xffff;
	[tilespmem:$0x1FF30] =	vst v0;
	v0 =	vor.u32 s30, v49  }
0x38c: {  	v38 =	vmovc v10;
	v5 =	vadd.s32 s31, v12;
	v10 =	vadd.s32 s0, v14;
	v22 =	vld.idx.msk [tilespmem:v22+s20+$0x0], $0xffff;
	[tilespmem:$0x1FF40] =	vst v0;
	v0 =	vadd.s32 s31, v41  }
0x38d: {  	v6 =	vor.u32 s30, v11;
	v8 =	vor.u32 s30, v12;
	v32 =	vld.idx.msk [tilespmem:v23+s20+$0x0], $0xffff;
	[tilespmem:$0x1FF60] =	vst v0;
	v0 =	vor.u32 s30, v41  }
0x38e: {  	v9 =	vadd.s32 s31, v13;
	v56 =	vadd.s32 s31, v14;
	v28 =	vld.idx.msk [tilespmem:v28+s20+$0x0], $0xffff;
	[tilespmem:$0x1FF70] =	vst v0;
	v0 =	vor.u32 s28, v41  }
0x38f: {  	v37 =	vmovc v11;
	v11 =	vld.idx.msk [tilespmem:v18+s20+$0x0], $0xffff;
	v18 =	vadd.s32 s0, v15;
	v1 =	vadd.f32 v27, v24;
	[tilespmem:$0x1FF80] =	vst v0;
	v0 =	vadd.s32 s31, v44  }
0x390: {  	v29 =	vmovc v12;
	v54 =	vor.u32 s30, v14;
	v3 =	vmovc v14;
	v14 =	vadd.s32 s0, v16;
	v12 =	vld.idx.msk [tilespmem:v30+s20+$0x0], $0xffff;
	[tilespmem:$0x1FF90] =	vst v0;
	v0 =	vor.u32 s28, v44  }
0x391: {  	v31 =	vor.u32 s30, v13;
	v10 =	vld.idx.msk [tilespmem:v10+s20+$0x0], $0xffff;
	v22 =	vadd.f32 v22, v1;
	[tilespmem:$0x1FFA0] =	vst v0;
	v0 =	vadd.s32 s31, v46  }
0x392: {  	v53 =	vadd.s32 s31, v15;
	v50 =	vor.u32 s30, v15;
	v23 =	vmovc v15;
	v24 =	vmovc v13;
	v13 =	vld.idx.msk [tilespmem:v26+s20+$0x0], $0xffff;
	[tilespmem:$0x1FFB0] =	vst v0;
	v0 =	vor.u32 s30, v46  }
0x393: {  	v15 =	vld.idx.msk [tilespmem:v25+s20+$0x0], $0xffff;
	v27 =	vmovc v17;
	v17 =	vadd.s32 s0, v17;
	v22 =	vadd.f32 v28, v22;
	[tilespmem:$0x1FFC0] =	vst v0;
	v0 =	vor.u32 s30, v47  }
0x394: {  	[tilespmem:$0x1FFD0] =	vst v0;
	v0 =	vld.idx.msk [tilespmem:v18+s20+$0x0], $0xffff;
	v18 =	vadd.s32 s31, v48  }
0x395: {  	v14 =	vld.idx.msk [tilespmem:v14+s20+$0x0], $0xffff;
	v1 =	vor.u32 s28, v47;
	v12 =	vadd.f32 v12, v22;
	[tilespmem:$0x1FFF0] =	vst v18;
	v18 =	vadd.s32 s0, v49  }
0x396: {  	[tilespmem:$0x1FFE0] =	vst v1;
	v1 =	vld.idx.msk [tilespmem:v19+s20+$0x0], $0xffff  }
0x397: {  	v6 =	vld.idx.msk [tilespmem:v6+s20+$0x0], $0xffff;
	v11 =	vadd.f32 v13, v11;
	v13 =	vadd.s32 s0, v41;
	v10 =	vadd.f32 v10, v12  }
0x398: {  	v51 =	vor.u32 s30, v16;
	v26 =	vmov v16;
	v16 =	vadd.f32 v32, v21;
	v12 =	vld.idx.msk [tilespmem:v17+s20+$0x0], $0xffff  }
0x399: {  	v4 =	vld.idx.msk [tilespmem:v4+s20+$0x0], $0xffff;
	v17 =	vadd.f32 v42, v59;
	v59 =	vadd.s32 s0, v44;
	v0 =	vadd.f32 v0, v10  }
0x39a: {  	v10 =	vld.idx.msk [tilespmem:v18+s20+$0x0], $0xffff  }
0x39b: {  	v1 =	vadd.f32 v1, v16;
	v16 =	vadd.s32 s0, v46;
	v0 =	vadd.f32 v14, v0  }
0x39c: {  	v15 =	vadd.f32 v15, v20;
	v13 =	vld.idx.msk [tilespmem:v13+s20+$0x0], $0xffff  }
0x39d: {  	v8 =	vld.idx.msk [tilespmem:v8+s20+$0x0], $0xffff;
	v6 =	vadd.f32 v6, v11;
	v11 =	vadd.s32 s0, v47;
	v0 =	vadd.f32 v12, v0  }
0x39e: {  	v4 =	vadd.f32 v4, v15;
	v12 =	vld.idx.msk [tilespmem:v59+s20+$0x0], $0xffff  }
0x39f: {  	v15 =	vadd.s32 s0, v48;
	v14 =	vadd.f32 v39, v17;
	v39 =	vld.idx.msk [tilespmem:v9+s20+$0x0], $0xffff;
	v0 =	vadd.f32 v10, v0  }
0x3a0: {  	v9 =	vadd.s32 s0, v58;
	v10 =	vld.idx.msk [tilespmem:v16+s20+$0x0], $0xffff  }
0x3a1: {  	v62 =	vadd.f32 v62, v14;
	v0 =	vadd.f32 v13, v0  }
0x3a2: {  	v18 =	vadd.f32 v33, v57;
	v11 =	vld.idx.msk [tilespmem:v11+s20+$0x0], $0xffff  }
0x3a3: {  	v7 =	vld.idx.msk [tilespmem:v7+s20+$0x0], $0xffff;
	v33 =	vadd.f32 v35, v62;
	v0 =	vadd.f32 v12, v0  }
0x3a4: {  	v45 =	vadd.f32 v45, v60;
	v6 =	vadd.f32 v8, v6;
	v8 =	vld.idx.msk [tilespmem:v15+s20+$0x0], $0xffff  }
0x3a5: {  	v9 =	vld.idx.msk [tilespmem:v9+s20+$0x0], $0xffff;
	[tilespmem:s26+$0xFFFFFFE0] =	vst v33;
	v0 =	vadd.f32 v10, v0  }
0x3a6: {  	v60 =	vadd.f32 v34, v45;
	v40 =	vld.idx.msk [tilespmem:v40+s20+$0x0], $0xffff  }
0x3a7: {  	v17 =	vadd.f32 v43, v18;
	v0 =	vadd.f32 v11, v0  }
0x3a8: {  	v4 =	vadd.f32 v7, v4;
	v18 =	vadd.f32 v61, v60;
	v11 =	vld.idx.msk [tilespmem:v55+s20+$0x0], $0xffff  }
0x3a9: {  	v63 =	vadd.f32 v63, v17;
	v0 =	vadd.f32 v8, v0  }
0x3aa: {  	v18 =	vadd.f32 v36, v18;
	v8 =	vld.idx.msk [tilespmem:v52+s20+$0x0], $0xffff  }
0x3ab: {  	v5 =	vld.idx.msk [tilespmem:v5+s20+$0x0], $0xffff;
	[tilespmem:s26+$0xFFFFFFF0] =	vst v63;
	v4 =	vadd.f32 v40, v4;
	v0 =	vadd.f32 v9, v0  }
0x3ac: {  	v14 =	vmov v3;
	v3 =	vld.idx.msk [tilespmem:v31+s20+$0x0], $0xffff;
	[tilespmem:s26+$0x0] =	vst v18;
	s26 =	sadd.s32 $0x40, s26  }
0x3ad: {  	v52 =	vld [tilespmem:$0x1FEF0];
	[tilespmem:s26+$0x10] =	vst v0;
	v0 =	vadd.f32 v11, v4;
	_ =	sdelay $0x1  }
0x3ae: {  	v0 =	vadd.f32 v8, v0;
	v8 =	vld [tilespmem:$0x1FF20];
	_ =	sdelay $0x1  }
0x3af: {  	v57 =	vld [tilespmem:$0x1FF60]  }
0x3b0: {  	v60 =	vld [tilespmem:$0x1FF90]  }
0x3b1: {  	v61 =	vld [tilespmem:$0x1FFA0]  }
0x3b2: {  	v42 =	vld.idx.msk [tilespmem:v56+s20+$0x0], $0xffff  }
0x3b3: {  	v4 =	vld.idx.msk [tilespmem:v52+s20+$0x0], $0xffff  }
0x3b4: {  	v10 =	vld.idx.msk [tilespmem:v54+s20+$0x0], $0xffff  }
0x3b5: {  	v8 =	vld.idx.msk [tilespmem:v8+s20+$0x0], $0xffff  }
0x3b6: {  	v45 =	vld.idx.msk [tilespmem:v50+s20+$0x0], $0xffff  }
0x3b7: {  	v56 =	vld [tilespmem:$0x1FF50]  }
0x3b8: {  	v43 =	vld.idx.msk [tilespmem:v53+s20+$0x0], $0xffff;
	v3 =	vadd.f32 v3, v6;
	v0 =	vadd.f32 v4, v0  }
0x3b9: {  	v9 =	vld.idx.msk [tilespmem:v51+s20+$0x0], $0xffff  }
0x3ba: {  	v3 =	vadd.f32 v10, v3;
	v0 =	vadd.f32 v8, v0;
	v8 =	vld [tilespmem:$0x1FF80]  }
0x3bb: {  	v54 =	vld [tilespmem:$0x1FF10]  }
0x3bc: {  	v50 =	vld [tilespmem:$0x1FEE0];
	v3 =	vadd.f32 v45, v3  }
0x3bd: {  	v53 =	vld [tilespmem:$0x1FF00]  }
0x3be: {  	v3 =	vadd.f32 v9, v3;
	v9 =	vld [tilespmem:$0x1FF40]  }
0x3bf: {  	v4 =	vld.idx.msk [tilespmem:v56+s20+$0x0], $0xffff  }
0x3c0: {  	v59 =	vld [tilespmem:$0x1FF70]  }
0x3c1: {  	v55 =	vld [tilespmem:$0x1FF30]  }
0x3c2: {  	v1 =	vadd.f32 v5, v1;
	v8 =	vld.idx.msk [tilespmem:v8+s20+$0x0], $0xffff  }
0x3c3: {  	v7 =	vld.idx.msk [tilespmem:v54+s20+$0x0], $0xffff  }
0x3c4: {  	v1 =	vadd.f32 v39, v1;
	v0 =	vadd.f32 v4, v0;
	v4 =	vld.idx.msk [tilespmem:v61+s20+$0x0], $0xffff  }
0x3c5: {  	v5 =	vld.idx.msk [tilespmem:v50+s20+$0x0], $0xffff  }
0x3c6: {  	v30 =	vor.u32 s30, v44;
	v1 =	vadd.f32 v42, v1;
	v9 =	vld.idx.msk [tilespmem:v9+s20+$0x0], $0xffff  }
0x3c7: {  	v6 =	vld.idx.msk [tilespmem:v53+s20+$0x0], $0xffff;
	v0 =	vadd.f32 v8, v0  }
0x3c8: {  	v1 =	vadd.f32 v43, v1;
	v3 =	vadd.f32 v7, v3;
	v7 =	vld.idx.msk [tilespmem:v59+s20+$0x0], $0xffff  }
0x3c9: {  	v59 =	vadd.f32 v4, v0;
	v0 =	vld [tilespmem:$0x1FFE0]  }
0x3ca: {  	v1 =	vadd.f32 v5, v1;
	v5 =	vld.idx.msk [tilespmem:v55+s20+$0x0], $0xffff  }
0x3cb: {  	v3 =	vadd.f32 v9, v3;
	v9 =	vld.idx.msk [tilespmem:v30+s20+$0x0], $0xffff  }
0x3cc: {  	v62 =	vld [tilespmem:$0x1FFB0]  }
0x3cd: {  	v63 =	vld [tilespmem:$0x1FFC0];
	v1 =	vadd.f32 v6, v1  }
0x3ce: {  	v6 =	vld.idx.msk [tilespmem:v57+s20+$0x0], $0xffff;
	v3 =	vadd.f32 v7, v3  }
0x3cf: {  	v1 =	vadd.f32 v5, v1;
	v5 =	vld.idx.msk [tilespmem:v60+s20+$0x0], $0xffff  }
0x3d0: {  	v60 =	vadd.f32 v9, v3;
	v3 =	vld [tilespmem:$0x1FFD0]  }
0x3d1: {  	v32 =	vadd.s32 s31, v47;
	v39 =	vld.idx.msk [tilespmem:v0+s20+$0x0], $0xffff  }
0x3d2: {  	v25 =	vor.u32 s28, v46;
	v0 =	vld [tilespmem:$0x1FFF0];
	_ =	sdelay $0x1  }
0x3d3: {  	s29 =	sadd.s32 $0x4, s29  }
0x3d4: {  	p0 =	slt.u32 s29, $0x3C;
	v1 =	vadd.f32 v6, v1;
	v6 =	vld.idx.msk [tilespmem:v62+s20+$0x0], $0xffff  }
.Ltmp6:
0x3d5: {  	v33 =	vld.idx.msk [tilespmem:v32+s20+$0x0], $0xffff;
	(pc) =	sbr.rel @p0 .LBB2_14-.Ltmp6, $4  }
0x3d6: {  	v21 =	vor.u32 s30, v48;
	v20 =	vor.u32 s28, v58;
	v42 =	vld.idx.msk [tilespmem:v25+s20+$0x0], $0xffff  }
0x3d7: {  	v19 =	vadd.s32 s31, v58;
	v28 =	vor.u32 s28, v48;
	v45 =	vld.idx.msk [tilespmem:v63+s20+$0x0], $0xffff;
	v1 =	vadd.f32 v5, v1  }
0x3d8: {  	v22 =	vor.u32 s30, v58;
	v15 =	vmovc v23;
	v16 =	vmovc v26;
	v17 =	vmov v27;
	v13 =	vmov v24;
	v34 =	vld.idx.msk [tilespmem:v3+s20+$0x0], $0xffff  }
0x3d9: {  	s28 =	sadd.s32 $0x40, s28;
	v12 =	vmovc v29;
	v10 =	vmovc v38;
	v11 =	vmov v37;
	v57 =	vadd.f32 v6, v1;
	v9 =	vlaneseq.u32;
	v43 =	vld.idx.msk [tilespmem:v0+s20+$0x0], $0xffff  }
0x3da: {  	_ =	sdelay $0x3  }
0x3db: {  	v0 =	vld.idx.msk [tilespmem:v21+s20+$0x0], $0xffff  }
0x3dc: {  	v1 =	vld.idx.msk [tilespmem:v28+s20+$0x0], $0xffff  }
0x3dd: {  	v3 =	vld.idx.msk [tilespmem:v19+s20+$0x0], $0xffff;
	v6 =	vadd.f32 v42, v59  }
0x3de: {  	v8 =	vld.idx.msk [tilespmem:v20+s20+$0x0], $0xffff;
	v7 =	vadd.f32 v33, v57;
	v4 =	vadd.f32 v45, v60  }
0x3df: {  	v5 =	vld.idx.msk [tilespmem:v22+s20+$0x0], $0xffff;
	v6 =	vadd.f32 v39, v6  }
0x3e0: {  	v4 =	vadd.f32 v34, v4;
	v7 =	vadd.f32 v43, v7  }
0x3e1: {  	v1 =	vadd.f32 v1, v6  }
0x3e2: {  	v0 =	vadd.f32 v0, v4;
	v3 =	vadd.f32 v3, v7  }
0x3e3: {  	v1 =	vadd.f32 v8, v1  }
0x3e4: {  	s25 =	sadd.s32 $0x1, s25;
	v0 =	vadd.f32 v5, v0;
	[tilespmem:s26+$0xFFFFFFF0] =	vst v3  }
0x3e5: {  	p0 =	sne.s32 s25, s14;
	[tilespmem:s26+$0xFFFFFFE0] =	vst v1  }
.Ltmp7:
0x3e6: {  	[tilespmem:s26+$0x0] =	vst v0;
	(pc) =	sbr.rel @p0 .LBB2_1-.Ltmp7, $4  }
0x3e7: {  	[hbm4b:s13+s21] =	stream.strided.scatter [tilespmem:s23], [sflag:$0x3], $0x400, s22, s21, $0x38;
	[tilespmem:$0xE280] =	vst v63  }
0x3e8: {  	_ =	swait.ge [sflag:s24], $0x400  }
0x3e9: {  	v57 =	vmov v48;
	v6 =	vmov v44;
	[sflag:s24] =	ssyncset.done $0x0  }
0x3ea: {  	v8 =	vmovc v47;
	v4 =	vmovc v49;
	v5 =	vmov v41;
	v7 =	vmov v46;
	v0 =	vimm.f32 $0.0e+00;
	[sflag:s24] =	ssyncadd.s32 $0xFFFFFC00  }
0x3eb: {  	_ =	sfence.sel $0x180000  }
0x3ec: {  	[bflag:$0x0] =	sbarrier.arrive $0xFFFF  }
0x3ed: {  	_ =	strace $0x90000047  }
0x3ee: {  	s0 =	stileid.u32;
	[bflag:$0x2] =	sbarrier.arrive $0xFFFF  }
0x3ef: {  	p0 =	sne.s32 s0, $0x0;
	s0 =	rddreg [dreg:$0x3]  }
0x3f0: {  	s0 =	sadd.s32 @!p0 $0x100000, s0  }
0x3f1: {  	[sflag:s0] =	ssyncadd.tile.s32 @!p0 $0x1;
	_ =	shalt  }
.Lfunc_end2:
_tile_overlayer_lowered:
.L_overlay_start_2:
0x3f2: {  	(tag) =	ssettag $0x2  }
0x3f3: {  	s0 =	rddreg [dreg:$0x0];
	s2 =	stileid.u32  }
0x3f4: {  	s1 =	rddreg [dreg:$0x1];
	p0 =	sne.s32 s2, $0x0  }
0x3f5: {  	s3 =	rddreg [dreg:$0x2];
	[bflag:$0x3] =	sbarrier.arrive $0xFFFF;
	s2 =	simm.s32 @!p0 $0x1C03  }
0x3f6: {  	[timem:s3], [sflag:s2] =	dma.local @!p0 [hbm:s0], s1  }
0x3f7: {  	s0 =	simm.s32 @!p0 $0x3  }
0x3f8: {  	_ =	swait.ge @!p0 [sflag:s0], s1  }
0x3f9: {  	s1 =	ssub.s32 @!p0 $0x0, s1;
	[sflag:s0] =	ssyncset.done @!p0 $0x0  }
0x3fa: {  	[sflag:s0] =	ssyncadd.s32 @!p0 s1  }
0x3fb: {  	[bflag:$0x3] =	sbarrier.arrive $0xFFFF  }
0x3fc: {  	_ =	shalt  }

</sc_bundles>
